<compile_context>
chip_gen: v7x
topology: tpu7x:2x2x1
jax: 0.10.2.dev20260603
libtpu: 0.0.44.dev20260713+nightly
codegen_flags: <defaults>
</compile_context>

<pallas_src>
import functools

import jax
import jax.numpy as jnp
from jax import lax
from jax.experimental import pallas as pl
from jax.experimental.pallas import tpu as pltpu
from jax.experimental.pallas import tpu_sc as plsc

_ROWS = 128
_EMB = 49152
_BATCH = 8
_NUM_WORKERS = 32
_ROWS_PER_WORKER = _ROWS // _NUM_WORKERS

_mesh = plsc.VectorSubcoreMesh(core_axis_name="c", subcore_axis_name="s")


@functools.partial(
    pl.kernel,
    out_type=jax.ShapeDtypeStruct((_BATCH, _ROWS, _EMB), jnp.float32),
    mesh=_mesh,
    scratch_types=[
        pltpu.VMEM((2, _EMB), jnp.float32),
        pltpu.SemaphoreType.DMA,
        pltpu.SemaphoreType.DMA,
    ],
)
def _broadcast_table(table_hbm, out_hbm, buf, in_sem, out_sem):
    wid = lax.axis_index("s") * 2 + lax.axis_index("c")
    base = wid * _ROWS_PER_WORKER

    read = pltpu.async_copy(
        table_hbm.at[pl.ds(base, 1)], buf.at[pl.ds(0, 1)], in_sem
    )
    pending_writes = []
    for r in range(_ROWS_PER_WORKER):
        slot = r % 2
        for w in pending_writes:
            w.wait()
        next_read = None
        if r + 1 < _ROWS_PER_WORKER:
            next_read = pltpu.async_copy(
                table_hbm.at[pl.ds(base + r + 1, 1)],
                buf.at[pl.ds(1 - slot, 1)],
                in_sem,
            )
        read.wait()
        pending_writes = [
            pltpu.async_copy(
                buf.at[pl.ds(slot, 1)],
                out_hbm.at[b].at[pl.ds(base + r, 1)],
                out_sem,
            )
            for b in range(_BATCH)
        ]
        read = next_read
    for w in pending_writes:
        w.wait()


def kernel(batch_size, table):
    del batch_size
    return _broadcast_table(table)

# --- scband reference (transcript-rebuilt; emitter-appended) ---
"""Pipeline reference for scband-prefix-encoder-89824946029272 (READ-ONLY COPY).

The authoritative reference and input builder live on the scoring server;
editing this copy changes nothing except your own understanding.
"""

import jax, jax.numpy as jnp
import numpy as np

PRE_SEQ_LEN = 128
N_LAYER = 24
HIDDEN = 1024
EMB_DIM = N_LAYER * 2 * HIDDEN  # 49152

BATCH = 8


def setup_inputs(seed: int = 0) -> dict:
    key = jax.random.key(seed)
    # torch.nn.Embedding default init: N(0, 1)
    table = jax.random.normal(key, (PRE_SEQ_LEN, EMB_DIM), dtype=jnp.float32)
    return {"batch_size": BATCH, "table": table}


def reference(batch_size, table):
    # prefix_tokens = arange(pre_seq_len).unsqueeze(0).expand(batch_size, -1)
    prefix_tokens = jnp.arange(PRE_SEQ_LEN, dtype=jnp.int32)
    zero = (jnp.asarray(batch_size, dtype=jnp.int32) * jnp.int32(0))
    prefix_tokens = prefix_tokens + zero
    prefix_tokens = jnp.broadcast_to(prefix_tokens[None, :], (BATCH, PRE_SEQ_LEN))
    # past_key_values = self.embedding(prefix_tokens)
    past_key_values = jnp.take(table, prefix_tokens, axis=0)
    # tune_flag=False path: dropout (identity at eval), return [B, pre_seq_len, 2*layers*hidden]
    return past_key_values

if __name__ == "__main__":
    import jax
    _d = setup_inputs()
    print(jax.jit(kernel)(*tuple(_d.values())))

</pallas_src>

<mosaic_0001>
#map = affine_map<(d0, d1) -> (0, 0)>
#map1 = affine_map<(d0, d1) -> (0, 0, 0)>
module attributes {stable_mosaic.version = 14 : i64} {
  func.func @_broadcast_table(%arg0: i32, %arg1: i32, %arg2: memref<128x49152xf32, #tpu.memory_space<hbm>>, %arg3: memref<8x128x49152xf32, #tpu.memory_space<hbm>>, %arg4: memref<2x49152xf32, #tpu.memory_space<vmem>>, %arg5: memref<!tpu.dma_semaphore, #tpu.memory_space<semaphore_mem>>, %arg6: memref<!tpu.dma_semaphore, #tpu.memory_space<semaphore_mem>>) attributes {dimension_semantics = [#tpu.dimension_semantics<core_parallel>, #tpu.dimension_semantics<subcore_parallel>], iteration_bounds = array<i64: 2, 16>, scalar_prefetch = 0 : i64, scratch_operands = 3 : i64, tpu.core_type = #tpu.core_type<sc_vector_subcore>, window_params = [{transform_indices = #map}, {transform_indices = #map1}]} {
    %mul3A = arith.constant 2 : i32
    %mul3A_0 = arith.muli %arg1, %mul3A : i32
    %add3A = arith.addi %mul3A_0, %arg0 : i32
    %mul3A_1 = arith.constant 4 : i32
    %mul3A_2 = arith.muli %add3A, %mul3A_1 : i32
    %dma_start3A = arith.constant 0 : i32
    %dma_start3A_3 = arith.constant 0 : i32
    %dma_start3A_4 = tpu.memref_slice %arg4[%dma_start3A, %dma_start3A_3] : memref<2x49152xf32, #tpu.memory_space<vmem>> -> memref<1x49152xf32, #tpu.memory_space<vmem>>
    %dma_start3A_5 = arith.constant 0 : i32
    %dma_start3A_6 = tpu.memref_slice %arg2[%mul3A_2, %dma_start3A_5] : memref<128x49152xf32, #tpu.memory_space<hbm>> -> memref<1x49152xf32, #tpu.memory_space<hbm>>
    %dma_start3A_7 = arith.constant 0 : i32
    %dma_start3A_8 = arith.constant 0 : i32
    %dma_start3A_9 = tpu.memref_slice %arg4[%dma_start3A_7, %dma_start3A_8] : memref<2x49152xf32, #tpu.memory_space<vmem>> -> memref<1x49152xf32, #tpu.memory_space<vmem>>
    %dma_start3A_10 = arith.constant 0 : i32
    %dma_start3A_11 = tpu.memref_slice %arg2[%mul3A_2, %dma_start3A_10] : memref<128x49152xf32, #tpu.memory_space<hbm>> -> memref<1x49152xf32, #tpu.memory_space<hbm>>
    tpu.enqueue_dma source(%dma_start3A_11 : memref<1x49152xf32, #tpu.memory_space<hbm>>) target(%dma_start3A_9 : memref<1x49152xf32, #tpu.memory_space<vmem>>) target_semaphore(%arg5 : memref<!tpu.dma_semaphore, #tpu.memory_space<semaphore_mem>>)
    %add3A_12 = arith.constant 0 : i32
    %add3A_13 = arith.addi %mul3A_2, %add3A_12 : i32
    %add3A_14 = arith.constant 1 : i32
    %add3A_15 = arith.addi %add3A_13, %add3A_14 : i32
    %dma_start3A_16 = arith.constant 1 : i32
    %dma_start3A_17 = arith.constant 0 : i32
    %dma_start3A_18 = tpu.memref_slice %arg4[%dma_start3A_16, %dma_start3A_17] : memref<2x49152xf32, #tpu.memory_space<vmem>> -> memref<1x49152xf32, #tpu.memory_space<vmem>>
    %dma_start3A_19 = arith.constant 0 : i32
    %dma_start3A_20 = tpu.memref_slice %arg2[%add3A_15, %dma_start3A_19] : memref<128x49152xf32, #tpu.memory_space<hbm>> -> memref<1x49152xf32, #tpu.memory_space<hbm>>
    %dma_start3A_21 = arith.constant 1 : i32
    %dma_start3A_22 = arith.constant 0 : i32
    %dma_start3A_23 = tpu.memref_slice %arg4[%dma_start3A_21, %dma_start3A_22] : memref<2x49152xf32, #tpu.memory_space<vmem>> -> memref<1x49152xf32, #tpu.memory_space<vmem>>
    %dma_start3A_24 = arith.constant 0 : i32
    %dma_start3A_25 = tpu.memref_slice %arg2[%add3A_15, %dma_start3A_24] : memref<128x49152xf32, #tpu.memory_space<hbm>> -> memref<1x49152xf32, #tpu.memory_space<hbm>>
    tpu.enqueue_dma source(%dma_start3A_25 : memref<1x49152xf32, #tpu.memory_space<hbm>>) target(%dma_start3A_23 : memref<1x49152xf32, #tpu.memory_space<vmem>>) target_semaphore(%arg5 : memref<!tpu.dma_semaphore, #tpu.memory_space<semaphore_mem>>)
    %dma_wait3A = arith.constant 0 : i32
    %dma_wait3A_26 = arith.constant 0 : i32
    %dma_wait3A_27 = tpu.memref_slice %arg4[%dma_wait3A, %dma_wait3A_26] : memref<2x49152xf32, #tpu.memory_space<vmem>> -> memref<1x49152xf32, #tpu.memory_space<vmem>>
    %dma_wait3A_28 = arith.constant 0 : i32
    %dma_wait3A_29 = tpu.memref_slice %arg2[%mul3A_2, %dma_wait3A_28] : memref<128x49152xf32, #tpu.memory_space<hbm>> -> memref<1x49152xf32, #tpu.memory_space<hbm>>
    %dma_wait3A_30 = arith.constant 0 : i32
    %dma_wait3A_31 = arith.constant 0 : i32
    %dma_wait3A_32 = tpu.memref_slice %arg4[%dma_wait3A_30, %dma_wait3A_31] : memref<2x49152xf32, #tpu.memory_space<vmem>> -> memref<1x49152xf32, #tpu.memory_space<vmem>>
    %dma_wait3A_33 = arith.constant 0 : i32
    %dma_wait3A_34 = tpu.memref_slice %arg2[%mul3A_2, %dma_wait3A_33] : memref<128x49152xf32, #tpu.memory_space<hbm>> -> memref<1x49152xf32, #tpu.memory_space<hbm>>
    tpu.wait_dma2 semaphore(%arg5 : memref<!tpu.dma_semaphore, #tpu.memory_space<semaphore_mem>>) src(%dma_wait3A_34 : memref<1x49152xf32, #tpu.memory_space<hbm>>) dst(%dma_wait3A_32 : memref<1x49152xf32, #tpu.memory_space<vmem>>)
    %add3A_35 = arith.constant 0 : i32
    %add3A_36 = arith.addi %mul3A_2, %add3A_35 : i32
    %dma_start3A_37 = arith.constant 0 : i32
    %dma_start3A_38 = arith.constant 0 : i32
    %dma_start3A_39 = arith.constant 0 : i32
    %dma_start3A_40 = tpu.memref_slice %arg4[%dma_start3A_38, %dma_start3A_39] : memref<2x49152xf32, #tpu.memory_space<vmem>> -> memref<1x49152xf32, #tpu.memory_space<vmem>>
    %dma_start3A_41 = arith.constant 0 : i32
    %dma_start3A_42 = arith.constant 0 : i32
    %dma_start3A_43 = tpu.memref_slice %arg3[%dma_start3A_37, %dma_start3A_41, %dma_start3A_42] : memref<8x128x49152xf32, #tpu.memory_space<hbm>> -> memref<1x128x49152xf32, #tpu.memory_space<hbm>>
    %dma_start3A_44 = tpu.memref_squeeze %dma_start3A_43 : memref<1x128x49152xf32, #tpu.memory_space<hbm>> -> memref<128x49152xf32, #tpu.memory_space<hbm>>
    %dma_start3A_45 = arith.constant 0 : i32
    %dma_start3A_46 = tpu.memref_slice %dma_start3A_44[%add3A_36, %dma_start3A_45] : memref<128x49152xf32, #tpu.memory_space<hbm>> -> memref<1x49152xf32, #tpu.memory_space<hbm>>
    %dma_start3A_47 = arith.constant 0 : i32
    %dma_start3A_48 = arith.constant 0 : i32
    %dma_start3A_49 = tpu.memref_slice %arg3[%dma_start3A_37, %dma_start3A_47, %dma_start3A_48] : memref<8x128x49152xf32, #tpu.memory_space<hbm>> -> memref<1x128x49152xf32, #tpu.memory_space<hbm>>
    %dma_start3A_50 = tpu.memref_squeeze %dma_start3A_49 : memref<1x128x49152xf32, #tpu.memory_space<hbm>> -> memref<128x49152xf32, #tpu.memory_space<hbm>>
    %dma_start3A_51 = arith.constant 0 : i32
    %dma_start3A_52 = tpu.memref_slice %dma_start3A_50[%add3A_36, %dma_start3A_51] : memref<128x49152xf32, #tpu.memory_space<hbm>> -> memref<1x49152xf32, #tpu.memory_space<hbm>>
    %dma_start3A_53 = arith.constant 0 : i32
    %dma_start3A_54 = arith.constant 0 : i32
    %dma_start3A_55 = tpu.memref_slice %arg4[%dma_start3A_53, %dma_start3A_54] : memref<2x49152xf32, #tpu.memory_space<vmem>> -> memref<1x49152xf32, #tpu.memory_space<vmem>>
    tpu.enqueue_dma source(%dma_start3A_55 : memref<1x49152xf32, #tpu.memory_space<vmem>>) target(%dma_start3A_52 : memref<1x49152xf32, #tpu.memory_space<hbm>>) target_semaphore(%arg6 : memref<!tpu.dma_semaphore, #tpu.memory_space<semaphore_mem>>)
    %add3A_56 = arith.constant 0 : i32
    %add3A_57 = arith.addi %mul3A_2, %add3A_56 : i32
    %dma_start3A_58 = arith.constant 1 : i32
    %dma_start3A_59 = arith.constant 0 : i32
    %dma_start3A_60 = arith.constant 0 : i32
    %dma_start3A_61 = tpu.memref_slice %arg4[%dma_start3A_59, %dma_start3A_60] : memref<2x49152xf32, #tpu.memory_space<vmem>> -> memref<1x49152xf32, #tpu.memory_space<vmem>>
    %dma_start3A_62 = arith.constant 0 : i32
    %dma_start3A_63 = arith.constant 0 : i32
    %dma_start3A_64 = tpu.memref_slice %arg3[%dma_start3A_58, %dma_start3A_62, %dma_start3A_63] : memref<8x128x49152xf32, #tpu.memory_space<hbm>> -> memref<1x128x49152xf32, #tpu.memory_space<hbm>>
    %dma_start3A_65 = tpu.memref_squeeze %dma_start3A_64 : memref<1x128x49152xf32, #tpu.memory_space<hbm>> -> memref<128x49152xf32, #tpu.memory_space<hbm>>
    %dma_start3A_66 = arith.constant 0 : i32
    %dma_start3A_67 = tpu.memref_slice %dma_start3A_65[%add3A_57, %dma_start3A_66] : memref<128x49152xf32, #tpu.memory_space<hbm>> -> memref<1x49152xf32, #tpu.memory_space<hbm>>
    %dma_start3A_68 = arith.constant 0 : i32
    %dma_start3A_69 = arith.constant 0 : i32
    %dma_start3A_70 = tpu.memref_slice %arg3[%dma_start3A_58, %dma_start3A_68, %dma_start3A_69] : memref<8x128x49152xf32, #tpu.memory_space<hbm>> -> memref<1x128x49152xf32, #tpu.memory_space<hbm>>
    %dma_start3A_71 = tpu.memref_squeeze %dma_start3A_70 : memref<1x128x49152xf32, #tpu.memory_space<hbm>> -> memref<128x49152xf32, #tpu.memory_space<hbm>>
    %dma_start3A_72 = arith.constant 0 : i32
    %dma_start3A_73 = tpu.memref_slice %dma_start3A_71[%add3A_57, %dma_start3A_72] : memref<128x49152xf32, #tpu.memory_space<hbm>> -> memref<1x49152xf32, #tpu.memory_space<hbm>>
    %dma_start3A_74 = arith.constant 0 : i32
    %dma_start3A_75 = arith.constant 0 : i32
    %dma_start3A_76 = tpu.memref_slice %arg4[%dma_start3A_74, %dma_start3A_75] : memref<2x49152xf32, #tpu.memory_space<vmem>> -> memref<1x49152xf32, #tpu.memory_space<vmem>>
    tpu.enqueue_dma source(%dma_start3A_76 : memref<1x49152xf32, #tpu.memory_space<vmem>>) target(%dma_start3A_73 : memref<1x49152xf32, #tpu.memory_space<hbm>>) target_semaphore(%arg6 : memref<!tpu.dma_semaphore, #tpu.memory_space<semaphore_mem>>)
    %add3A_77 = arith.constant 0 : i32
    %add3A_78 = arith.addi %mul3A_2, %add3A_77 : i32
    %dma_start3A_79 = arith.constant 2 : i32
    %dma_start3A_80 = arith.constant 0 : i32
    %dma_start3A_81 = arith.constant 0 : i32
    %dma_start3A_82 = tpu.memref_slice %arg4[%dma_start3A_80, %dma_start3A_81] : memref<2x49152xf32, #tpu.memory_space<vmem>> -> memref<1x49152xf32, #tpu.memory_space<vmem>>
    %dma_start3A_83 = arith.constant 0 : i32
    %dma_start3A_84 = arith.constant 0 : i32
    %dma_start3A_85 = tpu.memref_slice %arg3[%dma_start3A_79, %dma_start3A_83, %dma_start3A_84] : memref<8x128x49152xf32, #tpu.memory_space<hbm>> -> memref<1x128x49152xf32, #tpu.memory_space<hbm>>
    %dma_start3A_86 = tpu.memref_squeeze %dma_start3A_85 : memref<1x128x49152xf32, #tpu.memory_space<hbm>> -> memref<128x49152xf32, #tpu.memory_space<hbm>>
    %dma_start3A_87 = arith.constant 0 : i32
    %dma_start3A_88 = tpu.memref_slice %dma_start3A_86[%add3A_78, %dma_start3A_87] : memref<128x49152xf32, #tpu.memory_space<hbm>> -> memref<1x49152xf32, #tpu.memory_space<hbm>>
    %dma_start3A_89 = arith.constant 0 : i32
    %dma_start3A_90 = arith.constant 0 : i32
    %dma_start3A_91 = tpu.memref_slice %arg3[%dma_start3A_79, %dma_start3A_89, %dma_start3A_90] : memref<8x128x49152xf32, #tpu.memory_space<hbm>> -> memref<1x128x49152xf32, #tpu.memory_space<hbm>>
    %dma_start3A_92 = tpu.memref_squeeze %dma_start3A_91 : memref<1x128x49152xf32, #tpu.memory_space<hbm>> -> memref<128x49152xf32, #tpu.memory_space<hbm>>
    %dma_start3A_93 = arith.constant 0 : i32
    %dma_start3A_94 = tpu.memref_slice %dma_start3A_92[%add3A_78, %dma_start3A_93] : memref<128x49152xf32, #tpu.memory_space<hbm>> -> memref<1x49152xf32, #tpu.memory_space<hbm>>
    %dma_start3A_95 = arith.constant 0 : i32
    %dma_start3A_96 = arith.constant 0 : i32
    %dma_start3A_97 = tpu.memref_slice %arg4[%dma_start3A_95, %dma_start3A_96] : memref<2x49152xf32, #tpu.memory_space<vmem>> -> memref<1x49152xf32, #tpu.memory_space<vmem>>
    tpu.enqueue_dma source(%dma_start3A_97 : memref<1x49152xf32, #tpu.memory_space<vmem>>) target(%dma_start3A_94 : memref<1x49152xf32, #tpu.memory_space<hbm>>) target_semaphore(%arg6 : memref<!tpu.dma_semaphore, #tpu.memory_space<semaphore_mem>>)
    %add3A_98 = arith.constant 0 : i32
    %add3A_99 = arith.addi %mul3A_2, %add3A_98 : i32
    %dma_start3A_100 = arith.constant 3 : i32
    %dma_start3A_101 = arith.constant 0 : i32
    %dma_start3A_102 = arith.constant 0 : i32
    %dma_start3A_103 = tpu.memref_slice %arg4[%dma_start3A_101, %dma_start3A_102] : memref<2x49152xf32, #tpu.memory_space<vmem>> -> memref<1x49152xf32, #tpu.memory_space<vmem>>
    %dma_start3A_104 = arith.constant 0 : i32
    %dma_start3A_105 = arith.constant 0 : i32
    %dma_start3A_106 = tpu.memref_slice %arg3[%dma_start3A_100, %dma_start3A_104, %dma_start3A_105] : memref<8x128x49152xf32, #tpu.memory_space<hbm>> -> memref<1x128x49152xf32, #tpu.memory_space<hbm>>
    %dma_start3A_107 = tpu.memref_squeeze %dma_start3A_106 : memref<1x128x49152xf32, #tpu.memory_space<hbm>> -> memref<128x49152xf32, #tpu.memory_space<hbm>>
    %dma_start3A_108 = arith.constant 0 : i32
    %dma_start3A_109 = tpu.memref_slice %dma_start3A_107[%add3A_99, %dma_start3A_108] : memref<128x49152xf32, #tpu.memory_space<hbm>> -> memref<1x49152xf32, #tpu.memory_space<hbm>>
    %dma_start3A_110 = arith.constant 0 : i32
    %dma_start3A_111 = arith.constant 0 : i32
    %dma_start3A_112 = tpu.memref_slice %arg3[%dma_start3A_100, %dma_start3A_110, %dma_start3A_111] : memref<8x128x49152xf32, #tpu.memory_space<hbm>> -> memref<1x128x49152xf32, #tpu.memory_space<hbm>>
    %dma_start3A_113 = tpu.memref_squeeze %dma_start3A_112 : memref<1x128x49152xf32, #tpu.memory_space<hbm>> -> memref<128x49152xf32, #tpu.memory_space<hbm>>
    %dma_start3A_114 = arith.constant 0 : i32
    %dma_start3A_115 = tpu.memref_slice %dma_start3A_113[%add3A_99, %dma_start3A_114] : memref<128x49152xf32, #tpu.memory_space<hbm>> -> memref<1x49152xf32, #tpu.memory_space<hbm>>
    %dma_start3A_116 = arith.constant 0 : i32
    %dma_start3A_117 = arith.constant 0 : i32
    %dma_start3A_118 = tpu.memref_slice %arg4[%dma_start3A_116, %dma_start3A_117] : memref<2x49152xf32, #tpu.memory_space<vmem>> -> memref<1x49152xf32, #tpu.memory_space<vmem>>
    tpu.enqueue_dma source(%dma_start3A_118 : memref<1x49152xf32, #tpu.memory_space<vmem>>) target(%dma_start3A_115 : memref<1x49152xf32, #tpu.memory_space<hbm>>) target_semaphore(%arg6 : memref<!tpu.dma_semaphore, #tpu.memory_space<semaphore_mem>>)
    %add3A_119 = arith.constant 0 : i32
    %add3A_120 = arith.addi %mul3A_2, %add3A_119 : i32
    %dma_start3A_121 = arith.constant 4 : i32
    %dma_start3A_122 = arith.constant 0 : i32
    %dma_start3A_123 = arith.constant 0 : i32
    %dma_start3A_124 = tpu.memref_slice %arg4[%dma_start3A_122, %dma_start3A_123] : memref<2x49152xf32, #tpu.memory_space<vmem>> -> memref<1x49152xf32, #tpu.memory_space<vmem>>
    %dma_start3A_125 = arith.constant 0 : i32
    %dma_start3A_126 = arith.constant 0 : i32
    %dma_start3A_127 = tpu.memref_slice %arg3[%dma_start3A_121, %dma_start3A_125, %dma_start3A_126] : memref<8x128x49152xf32, #tpu.memory_space<hbm>> -> memref<1x128x49152xf32, #tpu.memory_space<hbm>>
    %dma_start3A_128 = tpu.memref_squeeze %dma_start3A_127 : memref<1x128x49152xf32, #tpu.memory_space<hbm>> -> memref<128x49152xf32, #tpu.memory_space<hbm>>
    %dma_start3A_129 = arith.constant 0 : i32
    %dma_start3A_130 = tpu.memref_slice %dma_start3A_128[%add3A_120, %dma_start3A_129] : memref<128x49152xf32, #tpu.memory_space<hbm>> -> memref<1x49152xf32, #tpu.memory_space<hbm>>
    %dma_start3A_131 = arith.constant 0 : i32
    %dma_start3A_132 = arith.constant 0 : i32
    %dma_start3A_133 = tpu.memref_slice %arg3[%dma_start3A_121, %dma_start3A_131, %dma_start3A_132] : memref<8x128x49152xf32, #tpu.memory_space<hbm>> -> memref<1x128x49152xf32, #tpu.memory_space<hbm>>
    %dma_start3A_134 = tpu.memref_squeeze %dma_start3A_133 : memref<1x128x49152xf32, #tpu.memory_space<hbm>> -> memref<128x49152xf32, #tpu.memory_space<hbm>>
    %dma_start3A_135 = arith.constant 0 : i32
    %dma_start3A_136 = tpu.memref_slice %dma_start3A_134[%add3A_120, %dma_start3A_135] : memref<128x49152xf32, #tpu.memory_space<hbm>> -> memref<1x49152xf32, #tpu.memory_space<hbm>>
    %dma_start3A_137 = arith.constant 0 : i32
    %dma_start3A_138 = arith.constant 0 : i32
    %dma_start3A_139 = tpu.memref_slice %arg4[%dma_start3A_137, %dma_start3A_138] : memref<2x49152xf32, #tpu.memory_space<vmem>> -> memref<1x49152xf32, #tpu.memory_space<vmem>>
    tpu.enqueue_dma source(%dma_start3A_139 : memref<1x49152xf32, #tpu.memory_space<vmem>>) target(%dma_start3A_136 : memref<1x49152xf32, #tpu.memory_space<hbm>>) target_semaphore(%arg6 : memref<!tpu.dma_semaphore, #tpu.memory_space<semaphore_mem>>)
    %add3A_140 = arith.constant 0 : i32
    %add3A_141 = arith.addi %mul3A_2, %add3A_140 : i32
    %dma_start3A_142 = arith.constant 5 : i32
    %dma_start3A_143 = arith.constant 0 : i32
    %dma_start3A_144 = arith.constant 0 : i32
    %dma_start3A_145 = tpu.memref_slice %arg4[%dma_start3A_143, %dma_start3A_144] : memref<2x49152xf32, #tpu.memory_space<vmem>> -> memref<1x49152xf32, #tpu.memory_space<vmem>>
    %dma_start3A_146 = arith.constant 0 : i32
    %dma_start3A_147 = arith.constant 0 : i32
    %dma_start3A_148 = tpu.memref_slice %arg3[%dma_start3A_142, %dma_start3A_146, %dma_start3A_147] : memref<8x128x49152xf32, #tpu.memory_space<hbm>> -> memref<1x128x49152xf32, #tpu.memory_space<hbm>>
    %dma_start3A_149 = tpu.memref_squeeze %dma_start3A_148 : memref<1x128x49152xf32, #tpu.memory_space<hbm>> -> memref<128x49152xf32, #tpu.memory_space<hbm>>
    %dma_start3A_150 = arith.constant 0 : i32
    %dma_start3A_151 = tpu.memref_slice %dma_start3A_149[%add3A_141, %dma_start3A_150] : memref<128x49152xf32, #tpu.memory_space<hbm>> -> memref<1x49152xf32, #tpu.memory_space<hbm>>
    %dma_start3A_152 = arith.constant 0 : i32
    %dma_start3A_153 = arith.constant 0 : i32
    %dma_start3A_154 = tpu.memref_slice %arg3[%dma_start3A_142, %dma_start3A_152, %dma_start3A_153] : memref<8x128x49152xf32, #tpu.memory_space<hbm>> -> memref<1x128x49152xf32, #tpu.memory_space<hbm>>
    %dma_start3A_155 = tpu.memref_squeeze %dma_start3A_154 : memref<1x128x49152xf32, #tpu.memory_space<hbm>> -> memref<128x49152xf32, #tpu.memory_space<hbm>>
    %dma_start3A_156 = arith.constant 0 : i32
    %dma_start3A_157 = tpu.memref_slice %dma_start3A_155[%add3A_141, %dma_start3A_156] : memref<128x49152xf32, #tpu.memory_space<hbm>> -> memref<1x49152xf32, #tpu.memory_space<hbm>>
    %dma_start3A_158 = arith.constant 0 : i32
    %dma_start3A_159 = arith.constant 0 : i32
    %dma_start3A_160 = tpu.memref_slice %arg4[%dma_start3A_158, %dma_start3A_159] : memref<2x49152xf32, #tpu.memory_space<vmem>> -> memref<1x49152xf32, #tpu.memory_space<vmem>>
    tpu.enqueue_dma source(%dma_start3A_160 : memref<1x49152xf32, #tpu.memory_space<vmem>>) target(%dma_start3A_157 : memref<1x49152xf32, #tpu.memory_space<hbm>>) target_semaphore(%arg6 : memref<!tpu.dma_semaphore, #tpu.memory_space<semaphore_mem>>)
    %add3A_161 = arith.constant 0 : i32
    %add3A_162 = arith.addi %mul3A_2, %add3A_161 : i32
    %dma_start3A_163 = arith.constant 6 : i32
    %dma_start3A_164 = arith.constant 0 : i32
    %dma_start3A_165 = arith.constant 0 : i32
    %dma_start3A_166 = tpu.memref_slice %arg4[%dma_start3A_164, %dma_start3A_165] : memref<2x49152xf32, #tpu.memory_space<vmem>> -> memref<1x49152xf32, #tpu.memory_space<vmem>>
    %dma_start3A_167 = arith.constant 0 : i32
    %dma_start3A_168 = arith.constant 0 : i32
    %dma_start3A_169 = tpu.memref_slice %arg3[%dma_start3A_163, %dma_start3A_167, %dma_start3A_168] : memref<8x128x49152xf32, #tpu.memory_space<hbm>> -> memref<1x128x49152xf32, #tpu.memory_space<hbm>>
    %dma_start3A_170 = tpu.memref_squeeze %dma_start3A_169 : memref<1x128x49152xf32, #tpu.memory_space<hbm>> -> memref<128x49152xf32, #tpu.memory_space<hbm>>
    %dma_start3A_171 = arith.constant 0 : i32
    %dma_start3A_172 = tpu.memref_slice %dma_start3A_170[%add3A_162, %dma_start3A_171] : memref<128x49152xf32, #tpu.memory_space<hbm>> -> memref<1x49152xf32, #tpu.memory_space<hbm>>
    %dma_start3A_173 = arith.constant 0 : i32
    %dma_start3A_174 = arith.constant 0 : i32
    %dma_start3A_175 = tpu.memref_slice %arg3[%dma_start3A_163, %dma_start3A_173, %dma_start3A_174] : memref<8x128x49152xf32, #tpu.memory_space<hbm>> -> memref<1x128x49152xf32, #tpu.memory_space<hbm>>
    %dma_start3A_176 = tpu.memref_squeeze %dma_start3A_175 : memref<1x128x49152xf32, #tpu.memory_space<hbm>> -> memref<128x49152xf32, #tpu.memory_space<hbm>>
    %dma_start3A_177 = arith.constant 0 : i32
    %dma_start3A_178 = tpu.memref_slice %dma_start3A_176[%add3A_162, %dma_start3A_177] : memref<128x49152xf32, #tpu.memory_space<hbm>> -> memref<1x49152xf32, #tpu.memory_space<hbm>>
    %dma_start3A_179 = arith.constant 0 : i32
    %dma_start3A_180 = arith.constant 0 : i32
    %dma_start3A_181 = tpu.memref_slice %arg4[%dma_start3A_179, %dma_start3A_180] : memref<2x49152xf32, #tpu.memory_space<vmem>> -> memref<1x49152xf32, #tpu.memory_space<vmem>>
    tpu.enqueue_dma source(%dma_start3A_181 : memref<1x49152xf32, #tpu.memory_space<vmem>>) target(%dma_start3A_178 : memref<1x49152xf32, #tpu.memory_space<hbm>>) target_semaphore(%arg6 : memref<!tpu.dma_semaphore, #tpu.memory_space<semaphore_mem>>)
    %add3A_182 = arith.constant 0 : i32
    %add3A_183 = arith.addi %mul3A_2, %add3A_182 : i32
    %dma_start3A_184 = arith.constant 7 : i32
    %dma_start3A_185 = arith.constant 0 : i32
    %dma_start3A_186 = arith.constant 0 : i32
    %dma_start3A_187 = tpu.memref_slice %arg4[%dma_start3A_185, %dma_start3A_186] : memref<2x49152xf32, #tpu.memory_space<vmem>> -> memref<1x49152xf32, #tpu.memory_space<vmem>>
    %dma_start3A_188 = arith.constant 0 : i32
    %dma_start3A_189 = arith.constant 0 : i32
    %dma_start3A_190 = tpu.memref_slice %arg3[%dma_start3A_184, %dma_start3A_188, %dma_start3A_189] : memref<8x128x49152xf32, #tpu.memory_space<hbm>> -> memref<1x128x49152xf32, #tpu.memory_space<hbm>>
    %dma_start3A_191 = tpu.memref_squeeze %dma_start3A_190 : memref<1x128x49152xf32, #tpu.memory_space<hbm>> -> memref<128x49152xf32, #tpu.memory_space<hbm>>
    %dma_start3A_192 = arith.constant 0 : i32
    %dma_start3A_193 = tpu.memref_slice %dma_start3A_191[%add3A_183, %dma_start3A_192] : memref<128x49152xf32, #tpu.memory_space<hbm>> -> memref<1x49152xf32, #tpu.memory_space<hbm>>
    %dma_start3A_194 = arith.constant 0 : i32
    %dma_start3A_195 = arith.constant 0 : i32
    %dma_start3A_196 = tpu.memref_slice %arg3[%dma_start3A_184, %dma_start3A_194, %dma_start3A_195] : memref<8x128x49152xf32, #tpu.memory_space<hbm>> -> memref<1x128x49152xf32, #tpu.memory_space<hbm>>
    %dma_start3A_197 = tpu.memref_squeeze %dma_start3A_196 : memref<1x128x49152xf32, #tpu.memory_space<hbm>> -> memref<128x49152xf32, #tpu.memory_space<hbm>>
    %dma_start3A_198 = arith.constant 0 : i32
    %dma_start3A_199 = tpu.memref_slice %dma_start3A_197[%add3A_183, %dma_start3A_198] : memref<128x49152xf32, #tpu.memory_space<hbm>> -> memref<1x49152xf32, #tpu.memory_space<hbm>>
    %dma_start3A_200 = arith.constant 0 : i32
    %dma_start3A_201 = arith.constant 0 : i32
    %dma_start3A_202 = tpu.memref_slice %arg4[%dma_start3A_200, %dma_start3A_201] : memref<2x49152xf32, #tpu.memory_space<vmem>> -> memref<1x49152xf32, #tpu.memory_space<vmem>>
    tpu.enqueue_dma source(%dma_start3A_202 : memref<1x49152xf32, #tpu.memory_space<vmem>>) target(%dma_start3A_199 : memref<1x49152xf32, #tpu.memory_space<hbm>>) target_semaphore(%arg6 : memref<!tpu.dma_semaphore, #tpu.memory_space<semaphore_mem>>)
    %dma_wait3A_203 = arith.constant 0 : i32
    %dma_wait3A_204 = arith.constant 0 : i32
    %dma_wait3A_205 = arith.constant 0 : i32
    %dma_wait3A_206 = tpu.memref_slice %arg4[%dma_wait3A_204, %dma_wait3A_205] : memref<2x49152xf32, #tpu.memory_space<vmem>> -> memref<1x49152xf32, #tpu.memory_space<vmem>>
    %dma_wait3A_207 = arith.constant 0 : i32
    %dma_wait3A_208 = arith.constant 0 : i32
    %dma_wait3A_209 = tpu.memref_slice %arg3[%dma_wait3A_203, %dma_wait3A_207, %dma_wait3A_208] : memref<8x128x49152xf32, #tpu.memory_space<hbm>> -> memref<1x128x49152xf32, #tpu.memory_space<hbm>>
    %dma_wait3A_210 = tpu.memref_squeeze %dma_wait3A_209 : memref<1x128x49152xf32, #tpu.memory_space<hbm>> -> memref<128x49152xf32, #tpu.memory_space<hbm>>
    %dma_wait3A_211 = arith.constant 0 : i32
    %dma_wait3A_212 = tpu.memref_slice %dma_wait3A_210[%add3A_36, %dma_wait3A_211] : memref<128x49152xf32, #tpu.memory_space<hbm>> -> memref<1x49152xf32, #tpu.memory_space<hbm>>
    %dma_wait3A_213 = arith.constant 0 : i32
    %dma_wait3A_214 = arith.constant 0 : i32
    %dma_wait3A_215 = tpu.memref_slice %arg3[%dma_wait3A_203, %dma_wait3A_213, %dma_wait3A_214] : memref<8x128x49152xf32, #tpu.memory_space<hbm>> -> memref<1x128x49152xf32, #tpu.memory_space<hbm>>
    %dma_wait3A_216 = tpu.memref_squeeze %dma_wait3A_215 : memref<1x128x49152xf32, #tpu.memory_space<hbm>> -> memref<128x49152xf32, #tpu.memory_space<hbm>>
    %dma_wait3A_217 = arith.constant 0 : i32
    %dma_wait3A_218 = tpu.memref_slice %dma_wait3A_216[%add3A_36, %dma_wait3A_217] : memref<128x49152xf32, #tpu.memory_space<hbm>> -> memref<1x49152xf32, #tpu.memory_space<hbm>>
    %dma_wait3A_219 = arith.constant 0 : i32
    %dma_wait3A_220 = arith.constant 0 : i32
    %dma_wait3A_221 = tpu.memref_slice %arg4[%dma_wait3A_219, %dma_wait3A_220] : memref<2x49152xf32, #tpu.memory_space<vmem>> -> memref<1x49152xf32, #tpu.memory_space<vmem>>
    tpu.wait_dma2 semaphore(%arg6 : memref<!tpu.dma_semaphore, #tpu.memory_space<semaphore_mem>>) src(%dma_wait3A_221 : memref<1x49152xf32, #tpu.memory_space<vmem>>) dst(%dma_wait3A_218 : memref<1x49152xf32, #tpu.memory_space<hbm>>)
    %dma_wait3A_222 = arith.constant 1 : i32
    %dma_wait3A_223 = arith.constant 0 : i32
    %dma_wait3A_224 = arith.constant 0 : i32
    %dma_wait3A_225 = tpu.memref_slice %arg4[%dma_wait3A_223, %dma_wait3A_224] : memref<2x49152xf32, #tpu.memory_space<vmem>> -> memref<1x49152xf32, #tpu.memory_space<vmem>>
    %dma_wait3A_226 = arith.constant 0 : i32
    %dma_wait3A_227 = arith.constant 0 : i32
    %dma_wait3A_228 = tpu.memref_slice %arg3[%dma_wait3A_222, %dma_wait3A_226, %dma_wait3A_227] : memref<8x128x49152xf32, #tpu.memory_space<hbm>> -> memref<1x128x49152xf32, #tpu.memory_space<hbm>>
    %dma_wait3A_229 = tpu.memref_squeeze %dma_wait3A_228 : memref<1x128x49152xf32, #tpu.memory_space<hbm>> -> memref<128x49152xf32, #tpu.memory_space<hbm>>
    %dma_wait3A_230 = arith.constant 0 : i32
    %dma_wait3A_231 = tpu.memref_slice %dma_wait3A_229[%add3A_57, %dma_wait3A_230] : memref<128x49152xf32, #tpu.memory_space<hbm>> -> memref<1x49152xf32, #tpu.memory_space<hbm>>
    %dma_wait3A_232 = arith.constant 0 : i32
    %dma_wait3A_233 = arith.constant 0 : i32
    %dma_wait3A_234 = tpu.memref_slice %arg3[%dma_wait3A_222, %dma_wait3A_232, %dma_wait3A_233] : memref<8x128x49152xf32, #tpu.memory_space<hbm>> -> memref<1x128x49152xf32, #tpu.memory_space<hbm>>
    %dma_wait3A_235 = tpu.memref_squeeze %dma_wait3A_234 : memref<1x128x49152xf32, #tpu.memory_space<hbm>> -> memref<128x49152xf32, #tpu.memory_space<hbm>>
    %dma_wait3A_236 = arith.constant 0 : i32
    %dma_wait3A_237 = tpu.memref_slice %dma_wait3A_235[%add3A_57, %dma_wait3A_236] : memref<128x49152xf32, #tpu.memory_space<hbm>> -> memref<1x49152xf32, #tpu.memory_space<hbm>>
    %dma_wait3A_238 = arith.constant 0 : i32
    %dma_wait3A_239 = arith.constant 0 : i32
    %dma_wait3A_240 = tpu.memref_slice %arg4[%dma_wait3A_238, %dma_wait3A_239] : memref<2x49152xf32, #tpu.memory_space<vmem>> -> memref<1x49152xf32, #tpu.memory_space<vmem>>
    tpu.wait_dma2 semaphore(%arg6 : memref<!tpu.dma_semaphore, #tpu.memory_space<semaphore_mem>>) src(%dma_wait3A_240 : memref<1x49152xf32, #tpu.memory_space<vmem>>) dst(%dma_wait3A_237 : memref<1x49152xf32, #tpu.memory_space<hbm>>)
    %dma_wait3A_241 = arith.constant 2 : i32
    %dma_wait3A_242 = arith.constant 0 : i32
    %dma_wait3A_243 = arith.constant 0 : i32
    %dma_wait3A_244 = tpu.memref_slice %arg4[%dma_wait3A_242, %dma_wait3A_243] : memref<2x49152xf32, #tpu.memory_space<vmem>> -> memref<1x49152xf32, #tpu.memory_space<vmem>>
    %dma_wait3A_245 = arith.constant 0 : i32
    %dma_wait3A_246 = arith.constant 0 : i32
    %dma_wait3A_247 = tpu.memref_slice %arg3[%dma_wait3A_241, %dma_wait3A_245, %dma_wait3A_246] : memref<8x128x49152xf32, #tpu.memory_space<hbm>> -> memref<1x128x49152xf32, #tpu.memory_space<hbm>>
    %dma_wait3A_248 = tpu.memref_squeeze %dma_wait3A_247 : memref<1x128x49152xf32, #tpu.memory_space<hbm>> -> memref<128x49152xf32, #tpu.memory_space<hbm>>
    %dma_wait3A_249 = arith.constant 0 : i32
    %dma_wait3A_250 = tpu.memref_slice %dma_wait3A_248[%add3A_78, %dma_wait3A_249] : memref<128x49152xf32, #tpu.memory_space<hbm>> -> memref<1x49152xf32, #tpu.memory_space<hbm>>
    %dma_wait3A_251 = arith.constant 0 : i32
    %dma_wait3A_252 = arith.constant 0 : i32
    %dma_wait3A_253 = tpu.memref_slice %arg3[%dma_wait3A_241, %dma_wait3A_251, %dma_wait3A_252] : memref<8x128x49152xf32, #tpu.memory_space<hbm>> -> memref<1x128x49152xf32, #tpu.memory_space<hbm>>
    %dma_wait3A_254 = tpu.memref_squeeze %dma_wait3A_253 : memref<1x128x49152xf32, #tpu.memory_space<hbm>> -> memref<128x49152xf32, #tpu.memory_space<hbm>>
    %dma_wait3A_255 = arith.constant 0 : i32
    %dma_wait3A_256 = tpu.memref_slice %dma_wait3A_254[%add3A_78, %dma_wait3A_255] : memref<128x49152xf32, #tpu.memory_space<hbm>> -> memref<1x49152xf32, #tpu.memory_space<hbm>>
    %dma_wait3A_257 = arith.constant 0 : i32
    %dma_wait3A_258 = arith.constant 0 : i32
    %dma_wait3A_259 = tpu.memref_slice %arg4[%dma_wait3A_257, %dma_wait3A_258] : memref<2x49152xf32, #tpu.memory_space<vmem>> -> memref<1x49152xf32, #tpu.memory_space<vmem>>
    tpu.wait_dma2 semaphore(%arg6 : memref<!tpu.dma_semaphore, #tpu.memory_space<semaphore_mem>>) src(%dma_wait3A_259 : memref<1x49152xf32, #tpu.memory_space<vmem>>) dst(%dma_wait3A_256 : memref<1x49152xf32, #tpu.memory_space<hbm>>)
    %dma_wait3A_260 = arith.constant 3 : i32
    %dma_wait3A_261 = arith.constant 0 : i32
    %dma_wait3A_262 = arith.constant 0 : i32
    %dma_wait3A_263 = tpu.memref_slice %arg4[%dma_wait3A_261, %dma_wait3A_262] : memref<2x49152xf32, #tpu.memory_space<vmem>> -> memref<1x49152xf32, #tpu.memory_space<vmem>>
    %dma_wait3A_264 = arith.constant 0 : i32
    %dma_wait3A_265 = arith.constant 0 : i32
    %dma_wait3A_266 = tpu.memref_slice %arg3[%dma_wait3A_260, %dma_wait3A_264, %dma_wait3A_265] : memref<8x128x49152xf32, #tpu.memory_space<hbm>> -> memref<1x128x49152xf32, #tpu.memory_space<hbm>>
    %dma_wait3A_267 = tpu.memref_squeeze %dma_wait3A_266 : memref<1x128x49152xf32, #tpu.memory_space<hbm>> -> memref<128x49152xf32, #tpu.memory_space<hbm>>
    %dma_wait3A_268 = arith.constant 0 : i32
    %dma_wait3A_269 = tpu.memref_slice %dma_wait3A_267[%add3A_99, %dma_wait3A_268] : memref<128x49152xf32, #tpu.memory_space<hbm>> -> memref<1x49152xf32, #tpu.memory_space<hbm>>
    %dma_wait3A_270 = arith.constant 0 : i32
    %dma_wait3A_271 = arith.constant 0 : i32
    %dma_wait3A_272 = tpu.memref_slice %arg3[%dma_wait3A_260, %dma_wait3A_270, %dma_wait3A_271] : memref<8x128x49152xf32, #tpu.memory_space<hbm>> -> memref<1x128x49152xf32, #tpu.memory_space<hbm>>
    %dma_wait3A_273 = tpu.memref_squeeze %dma_wait3A_272 : memref<1x128x49152xf32, #tpu.memory_space<hbm>> -> memref<128x49152xf32, #tpu.memory_space<hbm>>
    %dma_wait3A_274 = arith.constant 0 : i32
    %dma_wait3A_275 = tpu.memref_slice %dma_wait3A_273[%add3A_99, %dma_wait3A_274] : memref<128x49152xf32, #tpu.memory_space<hbm>> -> memref<1x49152xf32, #tpu.memory_space<hbm>>
    %dma_wait3A_276 = arith.constant 0 : i32
    %dma_wait3A_277 = arith.constant 0 : i32
    %dma_wait3A_278 = tpu.memref_slice %arg4[%dma_wait3A_276, %dma_wait3A_277] : memref<2x49152xf32, #tpu.memory_space<vmem>> -> memref<1x49152xf32, #tpu.memory_space<vmem>>
    tpu.wait_dma2 semaphore(%arg6 : memref<!tpu.dma_semaphore, #tpu.memory_space<semaphore_mem>>) src(%dma_wait3A_278 : memref<1x49152xf32, #tpu.memory_space<vmem>>) dst(%dma_wait3A_275 : memref<1x49152xf32, #tpu.memory_space<hbm>>)
    %dma_wait3A_279 = arith.constant 4 : i32
    %dma_wait3A_280 = arith.constant 0 : i32
    %dma_wait3A_281 = arith.constant 0 : i32
    %dma_wait3A_282 = tpu.memref_slice %arg4[%dma_wait3A_280, %dma_wait3A_281] : memref<2x49152xf32, #tpu.memory_space<vmem>> -> memref<1x49152xf32, #tpu.memory_space<vmem>>
    %dma_wait3A_283 = arith.constant 0 : i32
    %dma_wait3A_284 = arith.constant 0 : i32
    %dma_wait3A_285 = tpu.memref_slice %arg3[%dma_wait3A_279, %dma_wait3A_283, %dma_wait3A_284] : memref<8x128x49152xf32, #tpu.memory_space<hbm>> -> memref<1x128x49152xf32, #tpu.memory_space<hbm>>
    %dma_wait3A_286 = tpu.memref_squeeze %dma_wait3A_285 : memref<1x128x49152xf32, #tpu.memory_space<hbm>> -> memref<128x49152xf32, #tpu.memory_space<hbm>>
    %dma_wait3A_287 = arith.constant 0 : i32
    %dma_wait3A_288 = tpu.memref_slice %dma_wait3A_286[%add3A_120, %dma_wait3A_287] : memref<128x49152xf32, #tpu.memory_space<hbm>> -> memref<1x49152xf32, #tpu.memory_space<hbm>>
    %dma_wait3A_289 = arith.constant 0 : i32
    %dma_wait3A_290 = arith.constant 0 : i32
    %dma_wait3A_291 = tpu.memref_slice %arg3[%dma_wait3A_279, %dma_wait3A_289, %dma_wait3A_290] : memref<8x128x49152xf32, #tpu.memory_space<hbm>> -> memref<1x128x49152xf32, #tpu.memory_space<hbm>>
    %dma_wait3A_292 = tpu.memref_squeeze %dma_wait3A_291 : memref<1x128x49152xf32, #tpu.memory_space<hbm>> -> memref<128x49152xf32, #tpu.memory_space<hbm>>
    %dma_wait3A_293 = arith.constant 0 : i32
    %dma_wait3A_294 = tpu.memref_slice %dma_wait3A_292[%add3A_120, %dma_wait3A_293] : memref<128x49152xf32, #tpu.memory_space<hbm>> -> memref<1x49152xf32, #tpu.memory_space<hbm>>
    %dma_wait3A_295 = arith.constant 0 : i32
    %dma_wait3A_296 = arith.constant 0 : i32
    %dma_wait3A_297 = tpu.memref_slice %arg4[%dma_wait3A_295, %dma_wait3A_296] : memref<2x49152xf32, #tpu.memory_space<vmem>> -> memref<1x49152xf32, #tpu.memory_space<vmem>>
    tpu.wait_dma2 semaphore(%arg6 : memref<!tpu.dma_semaphore, #tpu.memory_space<semaphore_mem>>) src(%dma_wait3A_297 : memref<1x49152xf32, #tpu.memory_space<vmem>>) dst(%dma_wait3A_294 : memref<1x49152xf32, #tpu.memory_space<hbm>>)
    %dma_wait3A_298 = arith.constant 5 : i32
    %dma_wait3A_299 = arith.constant 0 : i32
    %dma_wait3A_300 = arith.constant 0 : i32
    %dma_wait3A_301 = tpu.memref_slice %arg4[%dma_wait3A_299, %dma_wait3A_300] : memref<2x49152xf32, #tpu.memory_space<vmem>> -> memref<1x49152xf32, #tpu.memory_space<vmem>>
    %dma_wait3A_302 = arith.constant 0 : i32
    %dma_wait3A_303 = arith.constant 0 : i32
    %dma_wait3A_304 = tpu.memref_slice %arg3[%dma_wait3A_298, %dma_wait3A_302, %dma_wait3A_303] : memref<8x128x49152xf32, #tpu.memory_space<hbm>> -> memref<1x128x49152xf32, #tpu.memory_space<hbm>>
    %dma_wait3A_305 = tpu.memref_squeeze %dma_wait3A_304 : memref<1x128x49152xf32, #tpu.memory_space<hbm>> -> memref<128x49152xf32, #tpu.memory_space<hbm>>
    %dma_wait3A_306 = arith.constant 0 : i32
    %dma_wait3A_307 = tpu.memref_slice %dma_wait3A_305[%add3A_141, %dma_wait3A_306] : memref<128x49152xf32, #tpu.memory_space<hbm>> -> memref<1x49152xf32, #tpu.memory_space<hbm>>
    %dma_wait3A_308 = arith.constant 0 : i32
    %dma_wait3A_309 = arith.constant 0 : i32
    %dma_wait3A_310 = tpu.memref_slice %arg3[%dma_wait3A_298, %dma_wait3A_308, %dma_wait3A_309] : memref<8x128x49152xf32, #tpu.memory_space<hbm>> -> memref<1x128x49152xf32, #tpu.memory_space<hbm>>
    %dma_wait3A_311 = tpu.memref_squeeze %dma_wait3A_310 : memref<1x128x49152xf32, #tpu.memory_space<hbm>> -> memref<128x49152xf32, #tpu.memory_space<hbm>>
    %dma_wait3A_312 = arith.constant 0 : i32
    %dma_wait3A_313 = tpu.memref_slice %dma_wait3A_311[%add3A_141, %dma_wait3A_312] : memref<128x49152xf32, #tpu.memory_space<hbm>> -> memref<1x49152xf32, #tpu.memory_space<hbm>>
    %dma_wait3A_314 = arith.constant 0 : i32
    %dma_wait3A_315 = arith.constant 0 : i32
    %dma_wait3A_316 = tpu.memref_slice %arg4[%dma_wait3A_314, %dma_wait3A_315] : memref<2x49152xf32, #tpu.memory_space<vmem>> -> memref<1x49152xf32, #tpu.memory_space<vmem>>
    tpu.wait_dma2 semaphore(%arg6 : memref<!tpu.dma_semaphore, #tpu.memory_space<semaphore_mem>>) src(%dma_wait3A_316 : memref<1x49152xf32, #tpu.memory_space<vmem>>) dst(%dma_wait3A_313 : memref<1x49152xf32, #tpu.memory_space<hbm>>)
    %dma_wait3A_317 = arith.constant 6 : i32
    %dma_wait3A_318 = arith.constant 0 : i32
    %dma_wait3A_319 = arith.constant 0 : i32
    %dma_wait3A_320 = tpu.memref_slice %arg4[%dma_wait3A_318, %dma_wait3A_319] : memref<2x49152xf32, #tpu.memory_space<vmem>> -> memref<1x49152xf32, #tpu.memory_space<vmem>>
    %dma_wait3A_321 = arith.constant 0 : i32
    %dma_wait3A_322 = arith.constant 0 : i32
    %dma_wait3A_323 = tpu.memref_slice %arg3[%dma_wait3A_317, %dma_wait3A_321, %dma_wait3A_322] : memref<8x128x49152xf32, #tpu.memory_space<hbm>> -> memref<1x128x49152xf32, #tpu.memory_space<hbm>>
    %dma_wait3A_324 = tpu.memref_squeeze %dma_wait3A_323 : memref<1x128x49152xf32, #tpu.memory_space<hbm>> -> memref<128x49152xf32, #tpu.memory_space<hbm>>
    %dma_wait3A_325 = arith.constant 0 : i32
    %dma_wait3A_326 = tpu.memref_slice %dma_wait3A_324[%add3A_162, %dma_wait3A_325] : memref<128x49152xf32, #tpu.memory_space<hbm>> -> memref<1x49152xf32, #tpu.memory_space<hbm>>
    %dma_wait3A_327 = arith.constant 0 : i32
    %dma_wait3A_328 = arith.constant 0 : i32
    %dma_wait3A_329 = tpu.memref_slice %arg3[%dma_wait3A_317, %dma_wait3A_327, %dma_wait3A_328] : memref<8x128x49152xf32, #tpu.memory_space<hbm>> -> memref<1x128x49152xf32, #tpu.memory_space<hbm>>
    %dma_wait3A_330 = tpu.memref_squeeze %dma_wait3A_329 : memref<1x128x49152xf32, #tpu.memory_space<hbm>> -> memref<128x49152xf32, #tpu.memory_space<hbm>>
    %dma_wait3A_331 = arith.constant 0 : i32
    %dma_wait3A_332 = tpu.memref_slice %dma_wait3A_330[%add3A_162, %dma_wait3A_331] : memref<128x49152xf32, #tpu.memory_space<hbm>> -> memref<1x49152xf32, #tpu.memory_space<hbm>>
    %dma_wait3A_333 = arith.constant 0 : i32
    %dma_wait3A_334 = arith.constant 0 : i32
    %dma_wait3A_335 = tpu.memref_slice %arg4[%dma_wait3A_333, %dma_wait3A_334] : memref<2x49152xf32, #tpu.memory_space<vmem>> -> memref<1x49152xf32, #tpu.memory_space<vmem>>
    tpu.wait_dma2 semaphore(%arg6 : memref<!tpu.dma_semaphore, #tpu.memory_space<semaphore_mem>>) src(%dma_wait3A_335 : memref<1x49152xf32, #tpu.memory_space<vmem>>) dst(%dma_wait3A_332 : memref<1x49152xf32, #tpu.memory_space<hbm>>)
    %dma_wait3A_336 = arith.constant 7 : i32
    %dma_wait3A_337 = arith.constant 0 : i32
    %dma_wait3A_338 = arith.constant 0 : i32
    %dma_wait3A_339 = tpu.memref_slice %arg4[%dma_wait3A_337, %dma_wait3A_338] : memref<2x49152xf32, #tpu.memory_space<vmem>> -> memref<1x49152xf32, #tpu.memory_space<vmem>>
    %dma_wait3A_340 = arith.constant 0 : i32
    %dma_wait3A_341 = arith.constant 0 : i32
    %dma_wait3A_342 = tpu.memref_slice %arg3[%dma_wait3A_336, %dma_wait3A_340, %dma_wait3A_341] : memref<8x128x49152xf32, #tpu.memory_space<hbm>> -> memref<1x128x49152xf32, #tpu.memory_space<hbm>>
    %dma_wait3A_343 = tpu.memref_squeeze %dma_wait3A_342 : memref<1x128x49152xf32, #tpu.memory_space<hbm>> -> memref<128x49152xf32, #tpu.memory_space<hbm>>
    %dma_wait3A_344 = arith.constant 0 : i32
    %dma_wait3A_345 = tpu.memref_slice %dma_wait3A_343[%add3A_183, %dma_wait3A_344] : memref<128x49152xf32, #tpu.memory_space<hbm>> -> memref<1x49152xf32, #tpu.memory_space<hbm>>
    %dma_wait3A_346 = arith.constant 0 : i32
    %dma_wait3A_347 = arith.constant 0 : i32
    %dma_wait3A_348 = tpu.memref_slice %arg3[%dma_wait3A_336, %dma_wait3A_346, %dma_wait3A_347] : memref<8x128x49152xf32, #tpu.memory_space<hbm>> -> memref<1x128x49152xf32, #tpu.memory_space<hbm>>
    %dma_wait3A_349 = tpu.memref_squeeze %dma_wait3A_348 : memref<1x128x49152xf32, #tpu.memory_space<hbm>> -> memref<128x49152xf32, #tpu.memory_space<hbm>>
    %dma_wait3A_350 = arith.constant 0 : i32
    %dma_wait3A_351 = tpu.memref_slice %dma_wait3A_349[%add3A_183, %dma_wait3A_350] : memref<128x49152xf32, #tpu.memory_space<hbm>> -> memref<1x49152xf32, #tpu.memory_space<hbm>>
    %dma_wait3A_352 = arith.constant 0 : i32
    %dma_wait3A_353 = arith.constant 0 : i32
    %dma_wait3A_354 = tpu.memref_slice %arg4[%dma_wait3A_352, %dma_wait3A_353] : memref<2x49152xf32, #tpu.memory_space<vmem>> -> memref<1x49152xf32, #tpu.memory_space<vmem>>
    tpu.wait_dma2 semaphore(%arg6 : memref<!tpu.dma_semaphore, #tpu.memory_space<semaphore_mem>>) src(%dma_wait3A_354 : memref<1x49152xf32, #tpu.memory_space<vmem>>) dst(%dma_wait3A_351 : memref<1x49152xf32, #tpu.memory_space<hbm>>)
    %add3A_355 = arith.constant 1 : i32
    %add3A_356 = arith.addi %mul3A_2, %add3A_355 : i32
    %add3A_357 = arith.constant 1 : i32
    %add3A_358 = arith.addi %add3A_356, %add3A_357 : i32
    %dma_start3A_359 = arith.constant 0 : i32
    %dma_start3A_360 = arith.constant 0 : i32
    %dma_start3A_361 = tpu.memref_slice %arg4[%dma_start3A_359, %dma_start3A_360] : memref<2x49152xf32, #tpu.memory_space<vmem>> -> memref<1x49152xf32, #tpu.memory_space<vmem>>
    %dma_start3A_362 = arith.constant 0 : i32
    %dma_start3A_363 = tpu.memref_slice %arg2[%add3A_358, %dma_start3A_362] : memref<128x49152xf32, #tpu.memory_space<hbm>> -> memref<1x49152xf32, #tpu.memory_space<hbm>>
    %dma_start3A_364 = arith.constant 0 : i32
    %dma_start3A_365 = arith.constant 0 : i32
    %dma_start3A_366 = tpu.memref_slice %arg4[%dma_start3A_364, %dma_start3A_365] : memref<2x49152xf32, #tpu.memory_space<vmem>> -> memref<1x49152xf32, #tpu.memory_space<vmem>>
    %dma_start3A_367 = arith.constant 0 : i32
    %dma_start3A_368 = tpu.memref_slice %arg2[%add3A_358, %dma_start3A_367] : memref<128x49152xf32, #tpu.memory_space<hbm>> -> memref<1x49152xf32, #tpu.memory_space<hbm>>
    tpu.enqueue_dma source(%dma_start3A_368 : memref<1x49152xf32, #tpu.memory_space<hbm>>) target(%dma_start3A_366 : memref<1x49152xf32, #tpu.memory_space<vmem>>) target_semaphore(%arg5 : memref<!tpu.dma_semaphore, #tpu.memory_space<semaphore_mem>>)
    %dma_wait3A_369 = arith.constant 1 : i32
    %dma_wait3A_370 = arith.constant 0 : i32
    %dma_wait3A_371 = tpu.memref_slice %arg4[%dma_wait3A_369, %dma_wait3A_370] : memref<2x49152xf32, #tpu.memory_space<vmem>> -> memref<1x49152xf32, #tpu.memory_space<vmem>>
    %dma_wait3A_372 = arith.constant 0 : i32
    %dma_wait3A_373 = tpu.memref_slice %arg2[%add3A_15, %dma_wait3A_372] : memref<128x49152xf32, #tpu.memory_space<hbm>> -> memref<1x49152xf32, #tpu.memory_space<hbm>>
    %dma_wait3A_374 = arith.constant 1 : i32
    %dma_wait3A_375 = arith.constant 0 : i32
    %dma_wait3A_376 = tpu.memref_slice %arg4[%dma_wait3A_374, %dma_wait3A_375] : memref<2x49152xf32, #tpu.memory_space<vmem>> -> memref<1x49152xf32, #tpu.memory_space<vmem>>
    %dma_wait3A_377 = arith.constant 0 : i32
    %dma_wait3A_378 = tpu.memref_slice %arg2[%add3A_15, %dma_wait3A_377] : memref<128x49152xf32, #tpu.memory_space<hbm>> -> memref<1x49152xf32, #tpu.memory_space<hbm>>
    tpu.wait_dma2 semaphore(%arg5 : memref<!tpu.dma_semaphore, #tpu.memory_space<semaphore_mem>>) src(%dma_wait3A_378 : memref<1x49152xf32, #tpu.memory_space<hbm>>) dst(%dma_wait3A_376 : memref<1x49152xf32, #tpu.memory_space<vmem>>)
    %add3A_379 = arith.constant 1 : i32
    %add3A_380 = arith.addi %mul3A_2, %add3A_379 : i32
    %dma_start3A_381 = arith.constant 0 : i32
    %dma_start3A_382 = arith.constant 1 : i32
    %dma_start3A_383 = arith.constant 0 : i32
    %dma_start3A_384 = tpu.memref_slice %arg4[%dma_start3A_382, %dma_start3A_383] : memref<2x49152xf32, #tpu.memory_space<vmem>> -> memref<1x49152xf32, #tpu.memory_space<vmem>>
    %dma_start3A_385 = arith.constant 0 : i32
    %dma_start3A_386 = arith.constant 0 : i32
    %dma_start3A_387 = tpu.memref_slice %arg3[%dma_start3A_381, %dma_start3A_385, %dma_start3A_386] : memref<8x128x49152xf32, #tpu.memory_space<hbm>> -> memref<1x128x49152xf32, #tpu.memory_space<hbm>>
    %dma_start3A_388 = tpu.memref_squeeze %dma_start3A_387 : memref<1x128x49152xf32, #tpu.memory_space<hbm>> -> memref<128x49152xf32, #tpu.memory_space<hbm>>
    %dma_start3A_389 = arith.constant 0 : i32
    %dma_start3A_390 = tpu.memref_slice %dma_start3A_388[%add3A_380, %dma_start3A_389] : memref<128x49152xf32, #tpu.memory_space<hbm>> -> memref<1x49152xf32, #tpu.memory_space<hbm>>
    %dma_start3A_391 = arith.constant 0 : i32
    %dma_start3A_392 = arith.constant 0 : i32
    %dma_start3A_393 = tpu.memref_slice %arg3[%dma_start3A_381, %dma_start3A_391, %dma_start3A_392] : memref<8x128x49152xf32, #tpu.memory_space<hbm>> -> memref<1x128x49152xf32, #tpu.memory_space<hbm>>
    %dma_start3A_394 = tpu.memref_squeeze %dma_start3A_393 : memref<1x128x49152xf32, #tpu.memory_space<hbm>> -> memref<128x49152xf32, #tpu.memory_space<hbm>>
    %dma_start3A_395 = arith.constant 0 : i32
    %dma_start3A_396 = tpu.memref_slice %dma_start3A_394[%add3A_380, %dma_start3A_395] : memref<128x49152xf32, #tpu.memory_space<hbm>> -> memref<1x49152xf32, #tpu.memory_space<hbm>>
    %dma_start3A_397 = arith.constant 1 : i32
    %dma_start3A_398 = arith.constant 0 : i32
    %dma_start3A_399 = tpu.memref_slice %arg4[%dma_start3A_397, %dma_start3A_398] : memref<2x49152xf32, #tpu.memory_space<vmem>> -> memref<1x49152xf32, #tpu.memory_space<vmem>>
    tpu.enqueue_dma source(%dma_start3A_399 : memref<1x49152xf32, #tpu.memory_space<vmem>>) target(%dma_start3A_396 : memref<1x49152xf32, #tpu.memory_space<hbm>>) target_semaphore(%arg6 : memref<!tpu.dma_semaphore, #tpu.memory_space<semaphore_mem>>)
    %add3A_400 = arith.constant 1 : i32
    %add3A_401 = arith.addi %mul3A_2, %add3A_400 : i32
    %dma_start3A_402 = arith.constant 1 : i32
    %dma_start3A_403 = arith.constant 1 : i32
    %dma_start3A_404 = arith.constant 0 : i32
    %dma_start3A_405 = tpu.memref_slice %arg4[%dma_start3A_403, %dma_start3A_404] : memref<2x49152xf32, #tpu.memory_space<vmem>> -> memref<1x49152xf32, #tpu.memory_space<vmem>>
    %dma_start3A_406 = arith.constant 0 : i32
    %dma_start3A_407 = arith.constant 0 : i32
    %dma_start3A_408 = tpu.memref_slice %arg3[%dma_start3A_402, %dma_start3A_406, %dma_start3A_407] : memref<8x128x49152xf32, #tpu.memory_space<hbm>> -> memref<1x128x49152xf32, #tpu.memory_space<hbm>>
    %dma_start3A_409 = tpu.memref_squeeze %dma_start3A_408 : memref<1x128x49152xf32, #tpu.memory_space<hbm>> -> memref<128x49152xf32, #tpu.memory_space<hbm>>
    %dma_start3A_410 = arith.constant 0 : i32
    %dma_start3A_411 = tpu.memref_slice %dma_start3A_409[%add3A_401, %dma_start3A_410] : memref<128x49152xf32, #tpu.memory_space<hbm>> -> memref<1x49152xf32, #tpu.memory_space<hbm>>
    %dma_start3A_412 = arith.constant 0 : i32
    %dma_start3A_413 = arith.constant 0 : i32
    %dma_start3A_414 = tpu.memref_slice %arg3[%dma_start3A_402, %dma_start3A_412, %dma_start3A_413] : memref<8x128x49152xf32, #tpu.memory_space<hbm>> -> memref<1x128x49152xf32, #tpu.memory_space<hbm>>
    %dma_start3A_415 = tpu.memref_squeeze %dma_start3A_414 : memref<1x128x49152xf32, #tpu.memory_space<hbm>> -> memref<128x49152xf32, #tpu.memory_space<hbm>>
    %dma_start3A_416 = arith.constant 0 : i32
    %dma_start3A_417 = tpu.memref_slice %dma_start3A_415[%add3A_401, %dma_start3A_416] : memref<128x49152xf32, #tpu.memory_space<hbm>> -> memref<1x49152xf32, #tpu.memory_space<hbm>>
    %dma_start3A_418 = arith.constant 1 : i32
    %dma_start3A_419 = arith.constant 0 : i32
    %dma_start3A_420 = tpu.memref_slice %arg4[%dma_start3A_418, %dma_start3A_419] : memref<2x49152xf32, #tpu.memory_space<vmem>> -> memref<1x49152xf32, #tpu.memory_space<vmem>>
    tpu.enqueue_dma source(%dma_start3A_420 : memref<1x49152xf32, #tpu.memory_space<vmem>>) target(%dma_start3A_417 : memref<1x49152xf32, #tpu.memory_space<hbm>>) target_semaphore(%arg6 : memref<!tpu.dma_semaphore, #tpu.memory_space<semaphore_mem>>)
    %add3A_421 = arith.constant 1 : i32
    %add3A_422 = arith.addi %mul3A_2, %add3A_421 : i32
    %dma_start3A_423 = arith.constant 2 : i32
    %dma_start3A_424 = arith.constant 1 : i32
    %dma_start3A_425 = arith.constant 0 : i32
    %dma_start3A_426 = tpu.memref_slice %arg4[%dma_start3A_424, %dma_start3A_425] : memref<2x49152xf32, #tpu.memory_space<vmem>> -> memref<1x49152xf32, #tpu.memory_space<vmem>>
    %dma_start3A_427 = arith.constant 0 : i32
    %dma_start3A_428 = arith.constant 0 : i32
    %dma_start3A_429 = tpu.memref_slice %arg3[%dma_start3A_423, %dma_start3A_427, %dma_start3A_428] : memref<8x128x49152xf32, #tpu.memory_space<hbm>> -> memref<1x128x49152xf32, #tpu.memory_space<hbm>>
    %dma_start3A_430 = tpu.memref_squeeze %dma_start3A_429 : memref<1x128x49152xf32, #tpu.memory_space<hbm>> -> memref<128x49152xf32, #tpu.memory_space<hbm>>
    %dma_start3A_431 = arith.constant 0 : i32
    %dma_start3A_432 = tpu.memref_slice %dma_start3A_430[%add3A_422, %dma_start3A_431] : memref<128x49152xf32, #tpu.memory_space<hbm>> -> memref<1x49152xf32, #tpu.memory_space<hbm>>
    %dma_start3A_433 = arith.constant 0 : i32
    %dma_start3A_434 = arith.constant 0 : i32
    %dma_start3A_435 = tpu.memref_slice %arg3[%dma_start3A_423, %dma_start3A_433, %dma_start3A_434] : memref<8x128x49152xf32, #tpu.memory_space<hbm>> -> memref<1x128x49152xf32, #tpu.memory_space<hbm>>
    %dma_start3A_436 = tpu.memref_squeeze %dma_start3A_435 : memref<1x128x49152xf32, #tpu.memory_space<hbm>> -> memref<128x49152xf32, #tpu.memory_space<hbm>>
    %dma_start3A_437 = arith.constant 0 : i32
    %dma_start3A_438 = tpu.memref_slice %dma_start3A_436[%add3A_422, %dma_start3A_437] : memref<128x49152xf32, #tpu.memory_space<hbm>> -> memref<1x49152xf32, #tpu.memory_space<hbm>>
    %dma_start3A_439 = arith.constant 1 : i32
    %dma_start3A_440 = arith.constant 0 : i32
    %dma_start3A_441 = tpu.memref_slice %arg4[%dma_start3A_439, %dma_start3A_440] : memref<2x49152xf32, #tpu.memory_space<vmem>> -> memref<1x49152xf32, #tpu.memory_space<vmem>>
    tpu.enqueue_dma source(%dma_start3A_441 : memref<1x49152xf32, #tpu.memory_space<vmem>>) target(%dma_start3A_438 : memref<1x49152xf32, #tpu.memory_space<hbm>>) target_semaphore(%arg6 : memref<!tpu.dma_semaphore, #tpu.memory_space<semaphore_mem>>)
    %add3A_442 = arith.constant 1 : i32
    %add3A_443 = arith.addi %mul3A_2, %add3A_442 : i32
    %dma_start3A_444 = arith.constant 3 : i32
    %dma_start3A_445 = arith.constant 1 : i32
    %dma_start3A_446 = arith.constant 0 : i32
    %dma_start3A_447 = tpu.memref_slice %arg4[%dma_start3A_445, %dma_start3A_446] : memref<2x49152xf32, #tpu.memory_space<vmem>> -> memref<1x49152xf32, #tpu.memory_space<vmem>>
    %dma_start3A_448 = arith.constant 0 : i32
    %dma_start3A_449 = arith.constant 0 : i32
    %dma_start3A_450 = tpu.memref_slice %arg3[%dma_start3A_444, %dma_start3A_448, %dma_start3A_449] : memref<8x128x49152xf32, #tpu.memory_space<hbm>> -> memref<1x128x49152xf32, #tpu.memory_space<hbm>>
    %dma_start3A_451 = tpu.memref_squeeze %dma_start3A_450 : memref<1x128x49152xf32, #tpu.memory_space<hbm>> -> memref<128x49152xf32, #tpu.memory_space<hbm>>
    %dma_start3A_452 = arith.constant 0 : i32
    %dma_start3A_453 = tpu.memref_slice %dma_start3A_451[%add3A_443, %dma_start3A_452] : memref<128x49152xf32, #tpu.memory_space<hbm>> -> memref<1x49152xf32, #tpu.memory_space<hbm>>
    %dma_start3A_454 = arith.constant 0 : i32
    %dma_start3A_455 = arith.constant 0 : i32
    %dma_start3A_456 = tpu.memref_slice %arg3[%dma_start3A_444, %dma_start3A_454, %dma_start3A_455] : memref<8x128x49152xf32, #tpu.memory_space<hbm>> -> memref<1x128x49152xf32, #tpu.memory_space<hbm>>
    %dma_start3A_457 = tpu.memref_squeeze %dma_start3A_456 : memref<1x128x49152xf32, #tpu.memory_space<hbm>> -> memref<128x49152xf32, #tpu.memory_space<hbm>>
    %dma_start3A_458 = arith.constant 0 : i32
    %dma_start3A_459 = tpu.memref_slice %dma_start3A_457[%add3A_443, %dma_start3A_458] : memref<128x49152xf32, #tpu.memory_space<hbm>> -> memref<1x49152xf32, #tpu.memory_space<hbm>>
    %dma_start3A_460 = arith.constant 1 : i32
    %dma_start3A_461 = arith.constant 0 : i32
    %dma_start3A_462 = tpu.memref_slice %arg4[%dma_start3A_460, %dma_start3A_461] : memref<2x49152xf32, #tpu.memory_space<vmem>> -> memref<1x49152xf32, #tpu.memory_space<vmem>>
    tpu.enqueue_dma source(%dma_start3A_462 : memref<1x49152xf32, #tpu.memory_space<vmem>>) target(%dma_start3A_459 : memref<1x49152xf32, #tpu.memory_space<hbm>>) target_semaphore(%arg6 : memref<!tpu.dma_semaphore, #tpu.memory_space<semaphore_mem>>)
    %add3A_463 = arith.constant 1 : i32
    %add3A_464 = arith.addi %mul3A_2, %add3A_463 : i32
    %dma_start3A_465 = arith.constant 4 : i32
    %dma_start3A_466 = arith.constant 1 : i32
    %dma_start3A_467 = arith.constant 0 : i32
    %dma_start3A_468 = tpu.memref_slice %arg4[%dma_start3A_466, %dma_start3A_467] : memref<2x49152xf32, #tpu.memory_space<vmem>> -> memref<1x49152xf32, #tpu.memory_space<vmem>>
    %dma_start3A_469 = arith.constant 0 : i32
    %dma_start3A_470 = arith.constant 0 : i32
    %dma_start3A_471 = tpu.memref_slice %arg3[%dma_start3A_465, %dma_start3A_469, %dma_start3A_470] : memref<8x128x49152xf32, #tpu.memory_space<hbm>> -> memref<1x128x49152xf32, #tpu.memory_space<hbm>>
    %dma_start3A_472 = tpu.memref_squeeze %dma_start3A_471 : memref<1x128x49152xf32, #tpu.memory_space<hbm>> -> memref<128x49152xf32, #tpu.memory_space<hbm>>
    %dma_start3A_473 = arith.constant 0 : i32
    %dma_start3A_474 = tpu.memref_slice %dma_start3A_472[%add3A_464, %dma_start3A_473] : memref<128x49152xf32, #tpu.memory_space<hbm>> -> memref<1x49152xf32, #tpu.memory_space<hbm>>
    %dma_start3A_475 = arith.constant 0 : i32
    %dma_start3A_476 = arith.constant 0 : i32
    %dma_start3A_477 = tpu.memref_slice %arg3[%dma_start3A_465, %dma_start3A_475, %dma_start3A_476] : memref<8x128x49152xf32, #tpu.memory_space<hbm>> -> memref<1x128x49152xf32, #tpu.memory_space<hbm>>
    %dma_start3A_478 = tpu.memref_squeeze %dma_start3A_477 : memref<1x128x49152xf32, #tpu.memory_space<hbm>> -> memref<128x49152xf32, #tpu.memory_space<hbm>>
    %dma_start3A_479 = arith.constant 0 : i32
    %dma_start3A_480 = tpu.memref_slice %dma_start3A_478[%add3A_464, %dma_start3A_479] : memref<128x49152xf32, #tpu.memory_space<hbm>> -> memref<1x49152xf32, #tpu.memory_space<hbm>>
    %dma_start3A_481 = arith.constant 1 : i32
    %dma_start3A_482 = arith.constant 0 : i32
    %dma_start3A_483 = tpu.memref_slice %arg4[%dma_start3A_481, %dma_start3A_482] : memref<2x49152xf32, #tpu.memory_space<vmem>> -> memref<1x49152xf32, #tpu.memory_space<vmem>>
    tpu.enqueue_dma source(%dma_start3A_483 : memref<1x49152xf32, #tpu.memory_space<vmem>>) target(%dma_start3A_480 : memref<1x49152xf32, #tpu.memory_space<hbm>>) target_semaphore(%arg6 : memref<!tpu.dma_semaphore, #tpu.memory_space<semaphore_mem>>)
    %add3A_484 = arith.constant 1 : i32
    %add3A_485 = arith.addi %mul3A_2, %add3A_484 : i32
    %dma_start3A_486 = arith.constant 5 : i32
    %dma_start3A_487 = arith.constant 1 : i32
    %dma_start3A_488 = arith.constant 0 : i32
    %dma_start3A_489 = tpu.memref_slice %arg4[%dma_start3A_487, %dma_start3A_488] : memref<2x49152xf32, #tpu.memory_space<vmem>> -> memref<1x49152xf32, #tpu.memory_space<vmem>>
    %dma_start3A_490 = arith.constant 0 : i32
    %dma_start3A_491 = arith.constant 0 : i32
    %dma_start3A_492 = tpu.memref_slice %arg3[%dma_start3A_486, %dma_start3A_490, %dma_start3A_491] : memref<8x128x49152xf32, #tpu.memory_space<hbm>> -> memref<1x128x49152xf32, #tpu.memory_space<hbm>>
    %dma_start3A_493 = tpu.memref_squeeze %dma_start3A_492 : memref<1x128x49152xf32, #tpu.memory_space<hbm>> -> memref<128x49152xf32, #tpu.memory_space<hbm>>
    %dma_start3A_494 = arith.constant 0 : i32
    %dma_start3A_495 = tpu.memref_slice %dma_start3A_493[%add3A_485, %dma_start3A_494] : memref<128x49152xf32, #tpu.memory_space<hbm>> -> memref<1x49152xf32, #tpu.memory_space<hbm>>
    %dma_start3A_496 = arith.constant 0 : i32
    %dma_start3A_497 = arith.constant 0 : i32
    %dma_start3A_498 = tpu.memref_slice %arg3[%dma_start3A_486, %dma_start3A_496, %dma_start3A_497] : memref<8x128x49152xf32, #tpu.memory_space<hbm>> -> memref<1x128x49152xf32, #tpu.memory_space<hbm>>
    %dma_start3A_499 = tpu.memref_squeeze %dma_start3A_498 : memref<1x128x49152xf32, #tpu.memory_space<hbm>> -> memref<128x49152xf32, #tpu.memory_space<hbm>>
    %dma_start3A_500 = arith.constant 0 : i32
    %dma_start3A_501 = tpu.memref_slice %dma_start3A_499[%add3A_485, %dma_start3A_500] : memref<128x49152xf32, #tpu.memory_space<hbm>> -> memref<1x49152xf32, #tpu.memory_space<hbm>>
    %dma_start3A_502 = arith.constant 1 : i32
    %dma_start3A_503 = arith.constant 0 : i32
    %dma_start3A_504 = tpu.memref_slice %arg4[%dma_start3A_502, %dma_start3A_503] : memref<2x49152xf32, #tpu.memory_space<vmem>> -> memref<1x49152xf32, #tpu.memory_space<vmem>>
    tpu.enqueue_dma source(%dma_start3A_504 : memref<1x49152xf32, #tpu.memory_space<vmem>>) target(%dma_start3A_501 : memref<1x49152xf32, #tpu.memory_space<hbm>>) target_semaphore(%arg6 : memref<!tpu.dma_semaphore, #tpu.memory_space<semaphore_mem>>)
    %add3A_505 = arith.constant 1 : i32
    %add3A_506 = arith.addi %mul3A_2, %add3A_505 : i32
    %dma_start3A_507 = arith.constant 6 : i32
    %dma_start3A_508 = arith.constant 1 : i32
    %dma_start3A_509 = arith.constant 0 : i32
    %dma_start3A_510 = tpu.memref_slice %arg4[%dma_start3A_508, %dma_start3A_509] : memref<2x49152xf32, #tpu.memory_space<vmem>> -> memref<1x49152xf32, #tpu.memory_space<vmem>>
    %dma_start3A_511 = arith.constant 0 : i32
    %dma_start3A_512 = arith.constant 0 : i32
    %dma_start3A_513 = tpu.memref_slice %arg3[%dma_start3A_507, %dma_start3A_511, %dma_start3A_512] : memref<8x128x49152xf32, #tpu.memory_space<hbm>> -> memref<1x128x49152xf32, #tpu.memory_space<hbm>>
    %dma_start3A_514 = tpu.memref_squeeze %dma_start3A_513 : memref<1x128x49152xf32, #tpu.memory_space<hbm>> -> memref<128x49152xf32, #tpu.memory_space<hbm>>
    %dma_start3A_515 = arith.constant 0 : i32
    %dma_start3A_516 = tpu.memref_slice %dma_start3A_514[%add3A_506, %dma_start3A_515] : memref<128x49152xf32, #tpu.memory_space<hbm>> -> memref<1x49152xf32, #tpu.memory_space<hbm>>
    %dma_start3A_517 = arith.constant 0 : i32
    %dma_start3A_518 = arith.constant 0 : i32
    %dma_start3A_519 = tpu.memref_slice %arg3[%dma_start3A_507, %dma_start3A_517, %dma_start3A_518] : memref<8x128x49152xf32, #tpu.memory_space<hbm>> -> memref<1x128x49152xf32, #tpu.memory_space<hbm>>
    %dma_start3A_520 = tpu.memref_squeeze %dma_start3A_519 : memref<1x128x49152xf32, #tpu.memory_space<hbm>> -> memref<128x49152xf32, #tpu.memory_space<hbm>>
    %dma_start3A_521 = arith.constant 0 : i32
    %dma_start3A_522 = tpu.memref_slice %dma_start3A_520[%add3A_506, %dma_start3A_521] : memref<128x49152xf32, #tpu.memory_space<hbm>> -> memref<1x49152xf32, #tpu.memory_space<hbm>>
    %dma_start3A_523 = arith.constant 1 : i32
    %dma_start3A_524 = arith.constant 0 : i32
    %dma_start3A_525 = tpu.memref_slice %arg4[%dma_start3A_523, %dma_start3A_524] : memref<2x49152xf32, #tpu.memory_space<vmem>> -> memref<1x49152xf32, #tpu.memory_space<vmem>>
    tpu.enqueue_dma source(%dma_start3A_525 : memref<1x49152xf32, #tpu.memory_space<vmem>>) target(%dma_start3A_522 : memref<1x49152xf32, #tpu.memory_space<hbm>>) target_semaphore(%arg6 : memref<!tpu.dma_semaphore, #tpu.memory_space<semaphore_mem>>)
    %add3A_526 = arith.constant 1 : i32
    %add3A_527 = arith.addi %mul3A_2, %add3A_526 : i32
    %dma_start3A_528 = arith.constant 7 : i32
    %dma_start3A_529 = arith.constant 1 : i32
    %dma_start3A_530 = arith.constant 0 : i32
    %dma_start3A_531 = tpu.memref_slice %arg4[%dma_start3A_529, %dma_start3A_530] : memref<2x49152xf32, #tpu.memory_space<vmem>> -> memref<1x49152xf32, #tpu.memory_space<vmem>>
    %dma_start3A_532 = arith.constant 0 : i32
    %dma_start3A_533 = arith.constant 0 : i32
    %dma_start3A_534 = tpu.memref_slice %arg3[%dma_start3A_528, %dma_start3A_532, %dma_start3A_533] : memref<8x128x49152xf32, #tpu.memory_space<hbm>> -> memref<1x128x49152xf32, #tpu.memory_space<hbm>>
    %dma_start3A_535 = tpu.memref_squeeze %dma_start3A_534 : memref<1x128x49152xf32, #tpu.memory_space<hbm>> -> memref<128x49152xf32, #tpu.memory_space<hbm>>
    %dma_start3A_536 = arith.constant 0 : i32
    %dma_start3A_537 = tpu.memref_slice %dma_start3A_535[%add3A_527, %dma_start3A_536] : memref<128x49152xf32, #tpu.memory_space<hbm>> -> memref<1x49152xf32, #tpu.memory_space<hbm>>
    %dma_start3A_538 = arith.constant 0 : i32
    %dma_start3A_539 = arith.constant 0 : i32
    %dma_start3A_540 = tpu.memref_slice %arg3[%dma_start3A_528, %dma_start3A_538, %dma_start3A_539] : memref<8x128x49152xf32, #tpu.memory_space<hbm>> -> memref<1x128x49152xf32, #tpu.memory_space<hbm>>
    %dma_start3A_541 = tpu.memref_squeeze %dma_start3A_540 : memref<1x128x49152xf32, #tpu.memory_space<hbm>> -> memref<128x49152xf32, #tpu.memory_space<hbm>>
    %dma_start3A_542 = arith.constant 0 : i32
    %dma_start3A_543 = tpu.memref_slice %dma_start3A_541[%add3A_527, %dma_start3A_542] : memref<128x49152xf32, #tpu.memory_space<hbm>> -> memref<1x49152xf32, #tpu.memory_space<hbm>>
    %dma_start3A_544 = arith.constant 1 : i32
    %dma_start3A_545 = arith.constant 0 : i32
    %dma_start3A_546 = tpu.memref_slice %arg4[%dma_start3A_544, %dma_start3A_545] : memref<2x49152xf32, #tpu.memory_space<vmem>> -> memref<1x49152xf32, #tpu.memory_space<vmem>>
    tpu.enqueue_dma source(%dma_start3A_546 : memref<1x49152xf32, #tpu.memory_space<vmem>>) target(%dma_start3A_543 : memref<1x49152xf32, #tpu.memory_space<hbm>>) target_semaphore(%arg6 : memref<!tpu.dma_semaphore, #tpu.memory_space<semaphore_mem>>)
    %dma_wait3A_547 = arith.constant 0 : i32
    %dma_wait3A_548 = arith.constant 1 : i32
    %dma_wait3A_549 = arith.constant 0 : i32
    %dma_wait3A_550 = tpu.memref_slice %arg4[%dma_wait3A_548, %dma_wait3A_549] : memref<2x49152xf32, #tpu.memory_space<vmem>> -> memref<1x49152xf32, #tpu.memory_space<vmem>>
    %dma_wait3A_551 = arith.constant 0 : i32
    %dma_wait3A_552 = arith.constant 0 : i32
    %dma_wait3A_553 = tpu.memref_slice %arg3[%dma_wait3A_547, %dma_wait3A_551, %dma_wait3A_552] : memref<8x128x49152xf32, #tpu.memory_space<hbm>> -> memref<1x128x49152xf32, #tpu.memory_space<hbm>>
    %dma_wait3A_554 = tpu.memref_squeeze %dma_wait3A_553 : memref<1x128x49152xf32, #tpu.memory_space<hbm>> -> memref<128x49152xf32, #tpu.memory_space<hbm>>
    %dma_wait3A_555 = arith.constant 0 : i32
    %dma_wait3A_556 = tpu.memref_slice %dma_wait3A_554[%add3A_380, %dma_wait3A_555] : memref<128x49152xf32, #tpu.memory_space<hbm>> -> memref<1x49152xf32, #tpu.memory_space<hbm>>
    %dma_wait3A_557 = arith.constant 0 : i32
    %dma_wait3A_558 = arith.constant 0 : i32
    %dma_wait3A_559 = tpu.memref_slice %arg3[%dma_wait3A_547, %dma_wait3A_557, %dma_wait3A_558] : memref<8x128x49152xf32, #tpu.memory_space<hbm>> -> memref<1x128x49152xf32, #tpu.memory_space<hbm>>
    %dma_wait3A_560 = tpu.memref_squeeze %dma_wait3A_559 : memref<1x128x49152xf32, #tpu.memory_space<hbm>> -> memref<128x49152xf32, #tpu.memory_space<hbm>>
    %dma_wait3A_561 = arith.constant 0 : i32
    %dma_wait3A_562 = tpu.memref_slice %dma_wait3A_560[%add3A_380, %dma_wait3A_561] : memref<128x49152xf32, #tpu.memory_space<hbm>> -> memref<1x49152xf32, #tpu.memory_space<hbm>>
    %dma_wait3A_563 = arith.constant 1 : i32
    %dma_wait3A_564 = arith.constant 0 : i32
    %dma_wait3A_565 = tpu.memref_slice %arg4[%dma_wait3A_563, %dma_wait3A_564] : memref<2x49152xf32, #tpu.memory_space<vmem>> -> memref<1x49152xf32, #tpu.memory_space<vmem>>
    tpu.wait_dma2 semaphore(%arg6 : memref<!tpu.dma_semaphore, #tpu.memory_space<semaphore_mem>>) src(%dma_wait3A_565 : memref<1x49152xf32, #tpu.memory_space<vmem>>) dst(%dma_wait3A_562 : memref<1x49152xf32, #tpu.memory_space<hbm>>)
    %dma_wait3A_566 = arith.constant 1 : i32
    %dma_wait3A_567 = arith.constant 1 : i32
    %dma_wait3A_568 = arith.constant 0 : i32
    %dma_wait3A_569 = tpu.memref_slice %arg4[%dma_wait3A_567, %dma_wait3A_568] : memref<2x49152xf32, #tpu.memory_space<vmem>> -> memref<1x49152xf32, #tpu.memory_space<vmem>>
    %dma_wait3A_570 = arith.constant 0 : i32
    %dma_wait3A_571 = arith.constant 0 : i32
    %dma_wait3A_572 = tpu.memref_slice %arg3[%dma_wait3A_566, %dma_wait3A_570, %dma_wait3A_571] : memref<8x128x49152xf32, #tpu.memory_space<hbm>> -> memref<1x128x49152xf32, #tpu.memory_space<hbm>>
    %dma_wait3A_573 = tpu.memref_squeeze %dma_wait3A_572 : memref<1x128x49152xf32, #tpu.memory_space<hbm>> -> memref<128x49152xf32, #tpu.memory_space<hbm>>
    %dma_wait3A_574 = arith.constant 0 : i32
    %dma_wait3A_575 = tpu.memref_slice %dma_wait3A_573[%add3A_401, %dma_wait3A_574] : memref<128x49152xf32, #tpu.memory_space<hbm>> -> memref<1x49152xf32, #tpu.memory_space<hbm>>
    %dma_wait3A_576 = arith.constant 0 : i32
    %dma_wait3A_577 = arith.constant 0 : i32
    %dma_wait3A_578 = tpu.memref_slice %arg3[%dma_wait3A_566, %dma_wait3A_576, %dma_wait3A_577] : memref<8x128x49152xf32, #tpu.memory_space<hbm>> -> memref<1x128x49152xf32, #tpu.memory_space<hbm>>
    %dma_wait3A_579 = tpu.memref_squeeze %dma_wait3A_578 : memref<1x128x49152xf32, #tpu.memory_space<hbm>> -> memref<128x49152xf32, #tpu.memory_space<hbm>>
    %dma_wait3A_580 = arith.constant 0 : i32
    %dma_wait3A_581 = tpu.memref_slice %dma_wait3A_579[%add3A_401, %dma_wait3A_580] : memref<128x49152xf32, #tpu.memory_space<hbm>> -> memref<1x49152xf32, #tpu.memory_space<hbm>>
    %dma_wait3A_582 = arith.constant 1 : i32
    %dma_wait3A_583 = arith.constant 0 : i32
    %dma_wait3A_584 = tpu.memref_slice %arg4[%dma_wait3A_582, %dma_wait3A_583] : memref<2x49152xf32, #tpu.memory_space<vmem>> -> memref<1x49152xf32, #tpu.memory_space<vmem>>
    tpu.wait_dma2 semaphore(%arg6 : memref<!tpu.dma_semaphore, #tpu.memory_space<semaphore_mem>>) src(%dma_wait3A_584 : memref<1x49152xf32, #tpu.memory_space<vmem>>) dst(%dma_wait3A_581 : memref<1x49152xf32, #tpu.memory_space<hbm>>)
    %dma_wait3A_585 = arith.constant 2 : i32
    %dma_wait3A_586 = arith.constant 1 : i32
    %dma_wait3A_587 = arith.constant 0 : i32
    %dma_wait3A_588 = tpu.memref_slice %arg4[%dma_wait3A_586, %dma_wait3A_587] : memref<2x49152xf32, #tpu.memory_space<vmem>> -> memref<1x49152xf32, #tpu.memory_space<vmem>>
    %dma_wait3A_589 = arith.constant 0 : i32
    %dma_wait3A_590 = arith.constant 0 : i32
    %dma_wait3A_591 = tpu.memref_slice %arg3[%dma_wait3A_585, %dma_wait3A_589, %dma_wait3A_590] : memref<8x128x49152xf32, #tpu.memory_space<hbm>> -> memref<1x128x49152xf32, #tpu.memory_space<hbm>>
    %dma_wait3A_592 = tpu.memref_squeeze %dma_wait3A_591 : memref<1x128x49152xf32, #tpu.memory_space<hbm>> -> memref<128x49152xf32, #tpu.memory_space<hbm>>
    %dma_wait3A_593 = arith.constant 0 : i32
    %dma_wait3A_594 = tpu.memref_slice %dma_wait3A_592[%add3A_422, %dma_wait3A_593] : memref<128x49152xf32, #tpu.memory_space<hbm>> -> memref<1x49152xf32, #tpu.memory_space<hbm>>
    %dma_wait3A_595 = arith.constant 0 : i32
    %dma_wait3A_596 = arith.constant 0 : i32
    %dma_wait3A_597 = tpu.memref_slice %arg3[%dma_wait3A_585, %dma_wait3A_595, %dma_wait3A_596] : memref<8x128x49152xf32, #tpu.memory_space<hbm>> -> memref<1x128x49152xf32, #tpu.memory_space<hbm>>
    %dma_wait3A_598 = tpu.memref_squeeze %dma_wait3A_597 : memref<1x128x49152xf32, #tpu.memory_space<hbm>> -> memref<128x49152xf32, #tpu.memory_space<hbm>>
    %dma_wait3A_599 = arith.constant 0 : i32
    %dma_wait3A_600 = tpu.memref_slice %dma_wait3A_598[%add3A_422, %dma_wait3A_599] : memref<128x49152xf32, #tpu.memory_space<hbm>> -> memref<1x49152xf32, #tpu.memory_space<hbm>>
    %dma_wait3A_601 = arith.constant 1 : i32
    %dma_wait3A_602 = arith.constant 0 : i32
    %dma_wait3A_603 = tpu.memref_slice %arg4[%dma_wait3A_601, %dma_wait3A_602] : memref<2x49152xf32, #tpu.memory_space<vmem>> -> memref<1x49152xf32, #tpu.memory_space<vmem>>
    tpu.wait_dma2 semaphore(%arg6 : memref<!tpu.dma_semaphore, #tpu.memory_space<semaphore_mem>>) src(%dma_wait3A_603 : memref<1x49152xf32, #tpu.memory_space<vmem>>) dst(%dma_wait3A_600 : memref<1x49152xf32, #tpu.memory_space<hbm>>)
    %dma_wait3A_604 = arith.constant 3 : i32
    %dma_wait3A_605 = arith.constant 1 : i32
    %dma_wait3A_606 = arith.constant 0 : i32
    %dma_wait3A_607 = tpu.memref_slice %arg4[%dma_wait3A_605, %dma_wait3A_606] : memref<2x49152xf32, #tpu.memory_space<vmem>> -> memref<1x49152xf32, #tpu.memory_space<vmem>>
    %dma_wait3A_608 = arith.constant 0 : i32
    %dma_wait3A_609 = arith.constant 0 : i32
    %dma_wait3A_610 = tpu.memref_slice %arg3[%dma_wait3A_604, %dma_wait3A_608, %dma_wait3A_609] : memref<8x128x49152xf32, #tpu.memory_space<hbm>> -> memref<1x128x49152xf32, #tpu.memory_space<hbm>>
    %dma_wait3A_611 = tpu.memref_squeeze %dma_wait3A_610 : memref<1x128x49152xf32, #tpu.memory_space<hbm>> -> memref<128x49152xf32, #tpu.memory_space<hbm>>
    %dma_wait3A_612 = arith.constant 0 : i32
    %dma_wait3A_613 = tpu.memref_slice %dma_wait3A_611[%add3A_443, %dma_wait3A_612] : memref<128x49152xf32, #tpu.memory_space<hbm>> -> memref<1x49152xf32, #tpu.memory_space<hbm>>
    %dma_wait3A_614 = arith.constant 0 : i32
    %dma_wait3A_615 = arith.constant 0 : i32
    %dma_wait3A_616 = tpu.memref_slice %arg3[%dma_wait3A_604, %dma_wait3A_614, %dma_wait3A_615] : memref<8x128x49152xf32, #tpu.memory_space<hbm>> -> memref<1x128x49152xf32, #tpu.memory_space<hbm>>
    %dma_wait3A_617 = tpu.memref_squeeze %dma_wait3A_616 : memref<1x128x49152xf32, #tpu.memory_space<hbm>> -> memref<128x49152xf32, #tpu.memory_space<hbm>>
    %dma_wait3A_618 = arith.constant 0 : i32
    %dma_wait3A_619 = tpu.memref_slice %dma_wait3A_617[%add3A_443, %dma_wait3A_618] : memref<128x49152xf32, #tpu.memory_space<hbm>> -> memref<1x49152xf32, #tpu.memory_space<hbm>>
    %dma_wait3A_620 = arith.constant 1 : i32
    %dma_wait3A_621 = arith.constant 0 : i32
    %dma_wait3A_622 = tpu.memref_slice %arg4[%dma_wait3A_620, %dma_wait3A_621] : memref<2x49152xf32, #tpu.memory_space<vmem>> -> memref<1x49152xf32, #tpu.memory_space<vmem>>
    tpu.wait_dma2 semaphore(%arg6 : memref<!tpu.dma_semaphore, #tpu.memory_space<semaphore_mem>>) src(%dma_wait3A_622 : memref<1x49152xf32, #tpu.memory_space<vmem>>) dst(%dma_wait3A_619 : memref<1x49152xf32, #tpu.memory_space<hbm>>)
    %dma_wait3A_623 = arith.constant 4 : i32
    %dma_wait3A_624 = arith.constant 1 : i32
    %dma_wait3A_625 = arith.constant 0 : i32
    %dma_wait3A_626 = tpu.memref_slice %arg4[%dma_wait3A_624, %dma_wait3A_625] : memref<2x49152xf32, #tpu.memory_space<vmem>> -> memref<1x49152xf32, #tpu.memory_space<vmem>>
    %dma_wait3A_627 = arith.constant 0 : i32
    %dma_wait3A_628 = arith.constant 0 : i32
    %dma_wait3A_629 = tpu.memref_slice %arg3[%dma_wait3A_623, %dma_wait3A_627, %dma_wait3A_628] : memref<8x128x49152xf32, #tpu.memory_space<hbm>> -> memref<1x128x49152xf32, #tpu.memory_space<hbm>>
    %dma_wait3A_630 = tpu.memref_squeeze %dma_wait3A_629 : memref<1x128x49152xf32, #tpu.memory_space<hbm>> -> memref<128x49152xf32, #tpu.memory_space<hbm>>
    %dma_wait3A_631 = arith.constant 0 : i32
    %dma_wait3A_632 = tpu.memref_slice %dma_wait3A_630[%add3A_464, %dma_wait3A_631] : memref<128x49152xf32, #tpu.memory_space<hbm>> -> memref<1x49152xf32, #tpu.memory_space<hbm>>
    %dma_wait3A_633 = arith.constant 0 : i32
    %dma_wait3A_634 = arith.constant 0 : i32
    %dma_wait3A_635 = tpu.memref_slice %arg3[%dma_wait3A_623, %dma_wait3A_633, %dma_wait3A_634] : memref<8x128x49152xf32, #tpu.memory_space<hbm>> -> memref<1x128x49152xf32, #tpu.memory_space<hbm>>
    %dma_wait3A_636 = tpu.memref_squeeze %dma_wait3A_635 : memref<1x128x49152xf32, #tpu.memory_space<hbm>> -> memref<128x49152xf32, #tpu.memory_space<hbm>>
    %dma_wait3A_637 = arith.constant 0 : i32
    %dma_wait3A_638 = tpu.memref_slice %dma_wait3A_636[%add3A_464, %dma_wait3A_637] : memref<128x49152xf32, #tpu.memory_space<hbm>> -> memref<1x49152xf32, #tpu.memory_space<hbm>>
    %dma_wait3A_639 = arith.constant 1 : i32
    %dma_wait3A_640 = arith.constant 0 : i32
    %dma_wait3A_641 = tpu.memref_slice %arg4[%dma_wait3A_639, %dma_wait3A_640] : memref<2x49152xf32, #tpu.memory_space<vmem>> -> memref<1x49152xf32, #tpu.memory_space<vmem>>
    tpu.wait_dma2 semaphore(%arg6 : memref<!tpu.dma_semaphore, #tpu.memory_space<semaphore_mem>>) src(%dma_wait3A_641 : memref<1x49152xf32, #tpu.memory_space<vmem>>) dst(%dma_wait3A_638 : memref<1x49152xf32, #tpu.memory_space<hbm>>)
    %dma_wait3A_642 = arith.constant 5 : i32
    %dma_wait3A_643 = arith.constant 1 : i32
    %dma_wait3A_644 = arith.constant 0 : i32
    %dma_wait3A_645 = tpu.memref_slice %arg4[%dma_wait3A_643, %dma_wait3A_644] : memref<2x49152xf32, #tpu.memory_space<vmem>> -> memref<1x49152xf32, #tpu.memory_space<vmem>>
    %dma_wait3A_646 = arith.constant 0 : i32
    %dma_wait3A_647 = arith.constant 0 : i32
    %dma_wait3A_648 = tpu.memref_slice %arg3[%dma_wait3A_642, %dma_wait3A_646, %dma_wait3A_647] : memref<8x128x49152xf32, #tpu.memory_space<hbm>> -> memref<1x128x49152xf32, #tpu.memory_space<hbm>>
    %dma_wait3A_649 = tpu.memref_squeeze %dma_wait3A_648 : memref<1x128x49152xf32, #tpu.memory_space<hbm>> -> memref<128x49152xf32, #tpu.memory_space<hbm>>
    %dma_wait3A_650 = arith.constant 0 : i32
    %dma_wait3A_651 = tpu.memref_slice %dma_wait3A_649[%add3A_485, %dma_wait3A_650] : memref<128x49152xf32, #tpu.memory_space<hbm>> -> memref<1x49152xf32, #tpu.memory_space<hbm>>
    %dma_wait3A_652 = arith.constant 0 : i32
    %dma_wait3A_653 = arith.constant 0 : i32
    %dma_wait3A_654 = tpu.memref_slice %arg3[%dma_wait3A_642, %dma_wait3A_652, %dma_wait3A_653] : memref<8x128x49152xf32, #tpu.memory_space<hbm>> -> memref<1x128x49152xf32, #tpu.memory_space<hbm>>
    %dma_wait3A_655 = tpu.memref_squeeze %dma_wait3A_654 : memref<1x128x49152xf32, #tpu.memory_space<hbm>> -> memref<128x49152xf32, #tpu.memory_space<hbm>>
    %dma_wait3A_656 = arith.constant 0 : i32
    %dma_wait3A_657 = tpu.memref_slice %dma_wait3A_655[%add3A_485, %dma_wait3A_656] : memref<128x49152xf32, #tpu.memory_space<hbm>> -> memref<1x49152xf32, #tpu.memory_space<hbm>>
    %dma_wait3A_658 = arith.constant 1 : i32
    %dma_wait3A_659 = arith.constant 0 : i32
    %dma_wait3A_660 = tpu.memref_slice %arg4[%dma_wait3A_658, %dma_wait3A_659] : memref<2x49152xf32, #tpu.memory_space<vmem>> -> memref<1x49152xf32, #tpu.memory_space<vmem>>
    tpu.wait_dma2 semaphore(%arg6 : memref<!tpu.dma_semaphore, #tpu.memory_space<semaphore_mem>>) src(%dma_wait3A_660 : memref<1x49152xf32, #tpu.memory_space<vmem>>) dst(%dma_wait3A_657 : memref<1x49152xf32, #tpu.memory_space<hbm>>)
    %dma_wait3A_661 = arith.constant 6 : i32
    %dma_wait3A_662 = arith.constant 1 : i32
    %dma_wait3A_663 = arith.constant 0 : i32
    %dma_wait3A_664 = tpu.memref_slice %arg4[%dma_wait3A_662, %dma_wait3A_663] : memref<2x49152xf32, #tpu.memory_space<vmem>> -> memref<1x49152xf32, #tpu.memory_space<vmem>>
    %dma_wait3A_665 = arith.constant 0 : i32
    %dma_wait3A_666 = arith.constant 0 : i32
    %dma_wait3A_667 = tpu.memref_slice %arg3[%dma_wait3A_661, %dma_wait3A_665, %dma_wait3A_666] : memref<8x128x49152xf32, #tpu.memory_space<hbm>> -> memref<1x128x49152xf32, #tpu.memory_space<hbm>>
    %dma_wait3A_668 = tpu.memref_squeeze %dma_wait3A_667 : memref<1x128x49152xf32, #tpu.memory_space<hbm>> -> memref<128x49152xf32, #tpu.memory_space<hbm>>
    %dma_wait3A_669 = arith.constant 0 : i32
    %dma_wait3A_670 = tpu.memref_slice %dma_wait3A_668[%add3A_506, %dma_wait3A_669] : memref<128x49152xf32, #tpu.memory_space<hbm>> -> memref<1x49152xf32, #tpu.memory_space<hbm>>
    %dma_wait3A_671 = arith.constant 0 : i32
    %dma_wait3A_672 = arith.constant 0 : i32
    %dma_wait3A_673 = tpu.memref_slice %arg3[%dma_wait3A_661, %dma_wait3A_671, %dma_wait3A_672] : memref<8x128x49152xf32, #tpu.memory_space<hbm>> -> memref<1x128x49152xf32, #tpu.memory_space<hbm>>
    %dma_wait3A_674 = tpu.memref_squeeze %dma_wait3A_673 : memref<1x128x49152xf32, #tpu.memory_space<hbm>> -> memref<128x49152xf32, #tpu.memory_space<hbm>>
    %dma_wait3A_675 = arith.constant 0 : i32
    %dma_wait3A_676 = tpu.memref_slice %dma_wait3A_674[%add3A_506, %dma_wait3A_675] : memref<128x49152xf32, #tpu.memory_space<hbm>> -> memref<1x49152xf32, #tpu.memory_space<hbm>>
    %dma_wait3A_677 = arith.constant 1 : i32
    %dma_wait3A_678 = arith.constant 0 : i32
    %dma_wait3A_679 = tpu.memref_slice %arg4[%dma_wait3A_677, %dma_wait3A_678] : memref<2x49152xf32, #tpu.memory_space<vmem>> -> memref<1x49152xf32, #tpu.memory_space<vmem>>
    tpu.wait_dma2 semaphore(%arg6 : memref<!tpu.dma_semaphore, #tpu.memory_space<semaphore_mem>>) src(%dma_wait3A_679 : memref<1x49152xf32, #tpu.memory_space<vmem>>) dst(%dma_wait3A_676 : memref<1x49152xf32, #tpu.memory_space<hbm>>)
    %dma_wait3A_680 = arith.constant 7 : i32
    %dma_wait3A_681 = arith.constant 1 : i32
    %dma_wait3A_682 = arith.constant 0 : i32
    %dma_wait3A_683 = tpu.memref_slice %arg4[%dma_wait3A_681, %dma_wait3A_682] : memref<2x49152xf32, #tpu.memory_space<vmem>> -> memref<1x49152xf32, #tpu.memory_space<vmem>>
    %dma_wait3A_684 = arith.constant 0 : i32
    %dma_wait3A_685 = arith.constant 0 : i32
    %dma_wait3A_686 = tpu.memref_slice %arg3[%dma_wait3A_680, %dma_wait3A_684, %dma_wait3A_685] : memref<8x128x49152xf32, #tpu.memory_space<hbm>> -> memref<1x128x49152xf32, #tpu.memory_space<hbm>>
    %dma_wait3A_687 = tpu.memref_squeeze %dma_wait3A_686 : memref<1x128x49152xf32, #tpu.memory_space<hbm>> -> memref<128x49152xf32, #tpu.memory_space<hbm>>
    %dma_wait3A_688 = arith.constant 0 : i32
    %dma_wait3A_689 = tpu.memref_slice %dma_wait3A_687[%add3A_527, %dma_wait3A_688] : memref<128x49152xf32, #tpu.memory_space<hbm>> -> memref<1x49152xf32, #tpu.memory_space<hbm>>
    %dma_wait3A_690 = arith.constant 0 : i32
    %dma_wait3A_691 = arith.constant 0 : i32
    %dma_wait3A_692 = tpu.memref_slice %arg3[%dma_wait3A_680, %dma_wait3A_690, %dma_wait3A_691] : memref<8x128x49152xf32, #tpu.memory_space<hbm>> -> memref<1x128x49152xf32, #tpu.memory_space<hbm>>
    %dma_wait3A_693 = tpu.memref_squeeze %dma_wait3A_692 : memref<1x128x49152xf32, #tpu.memory_space<hbm>> -> memref<128x49152xf32, #tpu.memory_space<hbm>>
    %dma_wait3A_694 = arith.constant 0 : i32
    %dma_wait3A_695 = tpu.memref_slice %dma_wait3A_693[%add3A_527, %dma_wait3A_694] : memref<128x49152xf32, #tpu.memory_space<hbm>> -> memref<1x49152xf32, #tpu.memory_space<hbm>>
    %dma_wait3A_696 = arith.constant 1 : i32
    %dma_wait3A_697 = arith.constant 0 : i32
    %dma_wait3A_698 = tpu.memref_slice %arg4[%dma_wait3A_696, %dma_wait3A_697] : memref<2x49152xf32, #tpu.memory_space<vmem>> -> memref<1x49152xf32, #tpu.memory_space<vmem>>
    tpu.wait_dma2 semaphore(%arg6 : memref<!tpu.dma_semaphore, #tpu.memory_space<semaphore_mem>>) src(%dma_wait3A_698 : memref<1x49152xf32, #tpu.memory_space<vmem>>) dst(%dma_wait3A_695 : memref<1x49152xf32, #tpu.memory_space<hbm>>)
    %add3A_699 = arith.constant 2 : i32
    %add3A_700 = arith.addi %mul3A_2, %add3A_699 : i32
    %add3A_701 = arith.constant 1 : i32
    %add3A_702 = arith.addi %add3A_700, %add3A_701 : i32
    %dma_start3A_703 = arith.constant 1 : i32
    %dma_start3A_704 = arith.constant 0 : i32
    %dma_start3A_705 = tpu.memref_slice %arg4[%dma_start3A_703, %dma_start3A_704] : memref<2x49152xf32, #tpu.memory_space<vmem>> -> memref<1x49152xf32, #tpu.memory_space<vmem>>
    %dma_start3A_706 = arith.constant 0 : i32
    %dma_start3A_707 = tpu.memref_slice %arg2[%add3A_702, %dma_start3A_706] : memref<128x49152xf32, #tpu.memory_space<hbm>> -> memref<1x49152xf32, #tpu.memory_space<hbm>>
    %dma_start3A_708 = arith.constant 1 : i32
    %dma_start3A_709 = arith.constant 0 : i32
    %dma_start3A_710 = tpu.memref_slice %arg4[%dma_start3A_708, %dma_start3A_709] : memref<2x49152xf32, #tpu.memory_space<vmem>> -> memref<1x49152xf32, #tpu.memory_space<vmem>>
    %dma_start3A_711 = arith.constant 0 : i32
    %dma_start3A_712 = tpu.memref_slice %arg2[%add3A_702, %dma_start3A_711] : memref<128x49152xf32, #tpu.memory_space<hbm>> -> memref<1x49152xf32, #tpu.memory_space<hbm>>
    tpu.enqueue_dma source(%dma_start3A_712 : memref<1x49152xf32, #tpu.memory_space<hbm>>) target(%dma_start3A_710 : memref<1x49152xf32, #tpu.memory_space<vmem>>) target_semaphore(%arg5 : memref<!tpu.dma_semaphore, #tpu.memory_space<semaphore_mem>>)
    %dma_wait3A_713 = arith.constant 0 : i32
    %dma_wait3A_714 = arith.constant 0 : i32
    %dma_wait3A_715 = tpu.memref_slice %arg4[%dma_wait3A_713, %dma_wait3A_714] : memref<2x49152xf32, #tpu.memory_space<vmem>> -> memref<1x49152xf32, #tpu.memory_space<vmem>>
    %dma_wait3A_716 = arith.constant 0 : i32
    %dma_wait3A_717 = tpu.memref_slice %arg2[%add3A_358, %dma_wait3A_716] : memref<128x49152xf32, #tpu.memory_space<hbm>> -> memref<1x49152xf32, #tpu.memory_space<hbm>>
    %dma_wait3A_718 = arith.constant 0 : i32
    %dma_wait3A_719 = arith.constant 0 : i32
    %dma_wait3A_720 = tpu.memref_slice %arg4[%dma_wait3A_718, %dma_wait3A_719] : memref<2x49152xf32, #tpu.memory_space<vmem>> -> memref<1x49152xf32, #tpu.memory_space<vmem>>
    %dma_wait3A_721 = arith.constant 0 : i32
    %dma_wait3A_722 = tpu.memref_slice %arg2[%add3A_358, %dma_wait3A_721] : memref<128x49152xf32, #tpu.memory_space<hbm>> -> memref<1x49152xf32, #tpu.memory_space<hbm>>
    tpu.wait_dma2 semaphore(%arg5 : memref<!tpu.dma_semaphore, #tpu.memory_space<semaphore_mem>>) src(%dma_wait3A_722 : memref<1x49152xf32, #tpu.memory_space<hbm>>) dst(%dma_wait3A_720 : memref<1x49152xf32, #tpu.memory_space<vmem>>)
    %add3A_723 = arith.constant 2 : i32
    %add3A_724 = arith.addi %mul3A_2, %add3A_723 : i32
    %dma_start3A_725 = arith.constant 0 : i32
    %dma_start3A_726 = arith.constant 0 : i32
    %dma_start3A_727 = arith.constant 0 : i32
    %dma_start3A_728 = tpu.memref_slice %arg4[%dma_start3A_726, %dma_start3A_727] : memref<2x49152xf32, #tpu.memory_space<vmem>> -> memref<1x49152xf32, #tpu.memory_space<vmem>>
    %dma_start3A_729 = arith.constant 0 : i32
    %dma_start3A_730 = arith.constant 0 : i32
    %dma_start3A_731 = tpu.memref_slice %arg3[%dma_start3A_725, %dma_start3A_729, %dma_start3A_730] : memref<8x128x49152xf32, #tpu.memory_space<hbm>> -> memref<1x128x49152xf32, #tpu.memory_space<hbm>>
    %dma_start3A_732 = tpu.memref_squeeze %dma_start3A_731 : memref<1x128x49152xf32, #tpu.memory_space<hbm>> -> memref<128x49152xf32, #tpu.memory_space<hbm>>
    %dma_start3A_733 = arith.constant 0 : i32
    %dma_start3A_734 = tpu.memref_slice %dma_start3A_732[%add3A_724, %dma_start3A_733] : memref<128x49152xf32, #tpu.memory_space<hbm>> -> memref<1x49152xf32, #tpu.memory_space<hbm>>
    %dma_start3A_735 = arith.constant 0 : i32
    %dma_start3A_736 = arith.constant 0 : i32
    %dma_start3A_737 = tpu.memref_slice %arg3[%dma_start3A_725, %dma_start3A_735, %dma_start3A_736] : memref<8x128x49152xf32, #tpu.memory_space<hbm>> -> memref<1x128x49152xf32, #tpu.memory_space<hbm>>
    %dma_start3A_738 = tpu.memref_squeeze %dma_start3A_737 : memref<1x128x49152xf32, #tpu.memory_space<hbm>> -> memref<128x49152xf32, #tpu.memory_space<hbm>>
    %dma_start3A_739 = arith.constant 0 : i32
    %dma_start3A_740 = tpu.memref_slice %dma_start3A_738[%add3A_724, %dma_start3A_739] : memref<128x49152xf32, #tpu.memory_space<hbm>> -> memref<1x49152xf32, #tpu.memory_space<hbm>>
    %dma_start3A_741 = arith.constant 0 : i32
    %dma_start3A_742 = arith.constant 0 : i32
    %dma_start3A_743 = tpu.memref_slice %arg4[%dma_start3A_741, %dma_start3A_742] : memref<2x49152xf32, #tpu.memory_space<vmem>> -> memref<1x49152xf32, #tpu.memory_space<vmem>>
    tpu.enqueue_dma source(%dma_start3A_743 : memref<1x49152xf32, #tpu.memory_space<vmem>>) target(%dma_start3A_740 : memref<1x49152xf32, #tpu.memory_space<hbm>>) target_semaphore(%arg6 : memref<!tpu.dma_semaphore, #tpu.memory_space<semaphore_mem>>)
    %add3A_744 = arith.constant 2 : i32
    %add3A_745 = arith.addi %mul3A_2, %add3A_744 : i32
    %dma_start3A_746 = arith.constant 1 : i32
    %dma_start3A_747 = arith.constant 0 : i32
    %dma_start3A_748 = arith.constant 0 : i32
    %dma_start3A_749 = tpu.memref_slice %arg4[%dma_start3A_747, %dma_start3A_748] : memref<2x49152xf32, #tpu.memory_space<vmem>> -> memref<1x49152xf32, #tpu.memory_space<vmem>>
    %dma_start3A_750 = arith.constant 0 : i32
    %dma_start3A_751 = arith.constant 0 : i32
    %dma_start3A_752 = tpu.memref_slice %arg3[%dma_start3A_746, %dma_start3A_750, %dma_start3A_751] : memref<8x128x49152xf32, #tpu.memory_space<hbm>> -> memref<1x128x49152xf32, #tpu.memory_space<hbm>>
    %dma_start3A_753 = tpu.memref_squeeze %dma_start3A_752 : memref<1x128x49152xf32, #tpu.memory_space<hbm>> -> memref<128x49152xf32, #tpu.memory_space<hbm>>
    %dma_start3A_754 = arith.constant 0 : i32
    %dma_start3A_755 = tpu.memref_slice %dma_start3A_753[%add3A_745, %dma_start3A_754] : memref<128x49152xf32, #tpu.memory_space<hbm>> -> memref<1x49152xf32, #tpu.memory_space<hbm>>
    %dma_start3A_756 = arith.constant 0 : i32
    %dma_start3A_757 = arith.constant 0 : i32
    %dma_start3A_758 = tpu.memref_slice %arg3[%dma_start3A_746, %dma_start3A_756, %dma_start3A_757] : memref<8x128x49152xf32, #tpu.memory_space<hbm>> -> memref<1x128x49152xf32, #tpu.memory_space<hbm>>
    %dma_start3A_759 = tpu.memref_squeeze %dma_start3A_758 : memref<1x128x49152xf32, #tpu.memory_space<hbm>> -> memref<128x49152xf32, #tpu.memory_space<hbm>>
    %dma_start3A_760 = arith.constant 0 : i32
    %dma_start3A_761 = tpu.memref_slice %dma_start3A_759[%add3A_745, %dma_start3A_760] : memref<128x49152xf32, #tpu.memory_space<hbm>> -> memref<1x49152xf32, #tpu.memory_space<hbm>>
    %dma_start3A_762 = arith.constant 0 : i32
    %dma_start3A_763 = arith.constant 0 : i32
    %dma_start3A_764 = tpu.memref_slice %arg4[%dma_start3A_762, %dma_start3A_763] : memref<2x49152xf32, #tpu.memory_space<vmem>> -> memref<1x49152xf32, #tpu.memory_space<vmem>>
    tpu.enqueue_dma source(%dma_start3A_764 : memref<1x49152xf32, #tpu.memory_space<vmem>>) target(%dma_start3A_761 : memref<1x49152xf32, #tpu.memory_space<hbm>>) target_semaphore(%arg6 : memref<!tpu.dma_semaphore, #tpu.memory_space<semaphore_mem>>)
    %add3A_765 = arith.constant 2 : i32
    %add3A_766 = arith.addi %mul3A_2, %add3A_765 : i32
    %dma_start3A_767 = arith.constant 2 : i32
    %dma_start3A_768 = arith.constant 0 : i32
    %dma_start3A_769 = arith.constant 0 : i32
    %dma_start3A_770 = tpu.memref_slice %arg4[%dma_start3A_768, %dma_start3A_769] : memref<2x49152xf32, #tpu.memory_space<vmem>> -> memref<1x49152xf32, #tpu.memory_space<vmem>>
    %dma_start3A_771 = arith.constant 0 : i32
    %dma_start3A_772 = arith.constant 0 : i32
    %dma_start3A_773 = tpu.memref_slice %arg3[%dma_start3A_767, %dma_start3A_771, %dma_start3A_772] : memref<8x128x49152xf32, #tpu.memory_space<hbm>> -> memref<1x128x49152xf32, #tpu.memory_space<hbm>>
    %dma_start3A_774 = tpu.memref_squeeze %dma_start3A_773 : memref<1x128x49152xf32, #tpu.memory_space<hbm>> -> memref<128x49152xf32, #tpu.memory_space<hbm>>
    %dma_start3A_775 = arith.constant 0 : i32
    %dma_start3A_776 = tpu.memref_slice %dma_start3A_774[%add3A_766, %dma_start3A_775] : memref<128x49152xf32, #tpu.memory_space<hbm>> -> memref<1x49152xf32, #tpu.memory_space<hbm>>
    %dma_start3A_777 = arith.constant 0 : i32
    %dma_start3A_778 = arith.constant 0 : i32
    %dma_start3A_779 = tpu.memref_slice %arg3[%dma_start3A_767, %dma_start3A_777, %dma_start3A_778] : memref<8x128x49152xf32, #tpu.memory_space<hbm>> -> memref<1x128x49152xf32, #tpu.memory_space<hbm>>
    %dma_start3A_780 = tpu.memref_squeeze %dma_start3A_779 : memref<1x128x49152xf32, #tpu.memory_space<hbm>> -> memref<128x49152xf32, #tpu.memory_space<hbm>>
    %dma_start3A_781 = arith.constant 0 : i32
    %dma_start3A_782 = tpu.memref_slice %dma_start3A_780[%add3A_766, %dma_start3A_781] : memref<128x49152xf32, #tpu.memory_space<hbm>> -> memref<1x49152xf32, #tpu.memory_space<hbm>>
    %dma_start3A_783 = arith.constant 0 : i32
    %dma_start3A_784 = arith.constant 0 : i32
    %dma_start3A_785 = tpu.memref_slice %arg4[%dma_start3A_783, %dma_start3A_784] : memref<2x49152xf32, #tpu.memory_space<vmem>> -> memref<1x49152xf32, #tpu.memory_space<vmem>>
    tpu.enqueue_dma source(%dma_start3A_785 : memref<1x49152xf32, #tpu.memory_space<vmem>>) target(%dma_start3A_782 : memref<1x49152xf32, #tpu.memory_space<hbm>>) target_semaphore(%arg6 : memref<!tpu.dma_semaphore, #tpu.memory_space<semaphore_mem>>)
    %add3A_786 = arith.constant 2 : i32
    %add3A_787 = arith.addi %mul3A_2, %add3A_786 : i32
    %dma_start3A_788 = arith.constant 3 : i32
    %dma_start3A_789 = arith.constant 0 : i32
    %dma_start3A_790 = arith.constant 0 : i32
    %dma_start3A_791 = tpu.memref_slice %arg4[%dma_start3A_789, %dma_start3A_790] : memref<2x49152xf32, #tpu.memory_space<vmem>> -> memref<1x49152xf32, #tpu.memory_space<vmem>>
    %dma_start3A_792 = arith.constant 0 : i32
    %dma_start3A_793 = arith.constant 0 : i32
    %dma_start3A_794 = tpu.memref_slice %arg3[%dma_start3A_788, %dma_start3A_792, %dma_start3A_793] : memref<8x128x49152xf32, #tpu.memory_space<hbm>> -> memref<1x128x49152xf32, #tpu.memory_space<hbm>>
    %dma_start3A_795 = tpu.memref_squeeze %dma_start3A_794 : memref<1x128x49152xf32, #tpu.memory_space<hbm>> -> memref<128x49152xf32, #tpu.memory_space<hbm>>
    %dma_start3A_796 = arith.constant 0 : i32
    %dma_start3A_797 = tpu.memref_slice %dma_start3A_795[%add3A_787, %dma_start3A_796] : memref<128x49152xf32, #tpu.memory_space<hbm>> -> memref<1x49152xf32, #tpu.memory_space<hbm>>
    %dma_start3A_798 = arith.constant 0 : i32
    %dma_start3A_799 = arith.constant 0 : i32
    %dma_start3A_800 = tpu.memref_slice %arg3[%dma_start3A_788, %dma_start3A_798, %dma_start3A_799] : memref<8x128x49152xf32, #tpu.memory_space<hbm>> -> memref<1x128x49152xf32, #tpu.memory_space<hbm>>
    %dma_start3A_801 = tpu.memref_squeeze %dma_start3A_800 : memref<1x128x49152xf32, #tpu.memory_space<hbm>> -> memref<128x49152xf32, #tpu.memory_space<hbm>>
    %dma_start3A_802 = arith.constant 0 : i32
    %dma_start3A_803 = tpu.memref_slice %dma_start3A_801[%add3A_787, %dma_start3A_802] : memref<128x49152xf32, #tpu.memory_space<hbm>> -> memref<1x49152xf32, #tpu.memory_space<hbm>>
    %dma_start3A_804 = arith.constant 0 : i32
    %dma_start3A_805 = arith.constant 0 : i32
    %dma_start3A_806 = tpu.memref_slice %arg4[%dma_start3A_804, %dma_start3A_805] : memref<2x49152xf32, #tpu.memory_space<vmem>> -> memref<1x49152xf32, #tpu.memory_space<vmem>>
    tpu.enqueue_dma source(%dma_start3A_806 : memref<1x49152xf32, #tpu.memory_space<vmem>>) target(%dma_start3A_803 : memref<1x49152xf32, #tpu.memory_space<hbm>>) target_semaphore(%arg6 : memref<!tpu.dma_semaphore, #tpu.memory_space<semaphore_mem>>)
    %add3A_807 = arith.constant 2 : i32
    %add3A_808 = arith.addi %mul3A_2, %add3A_807 : i32
    %dma_start3A_809 = arith.constant 4 : i32
    %dma_start3A_810 = arith.constant 0 : i32
    %dma_start3A_811 = arith.constant 0 : i32
    %dma_start3A_812 = tpu.memref_slice %arg4[%dma_start3A_810, %dma_start3A_811] : memref<2x49152xf32, #tpu.memory_space<vmem>> -> memref<1x49152xf32, #tpu.memory_space<vmem>>
    %dma_start3A_813 = arith.constant 0 : i32
    %dma_start3A_814 = arith.constant 0 : i32
    %dma_start3A_815 = tpu.memref_slice %arg3[%dma_start3A_809, %dma_start3A_813, %dma_start3A_814] : memref<8x128x49152xf32, #tpu.memory_space<hbm>> -> memref<1x128x49152xf32, #tpu.memory_space<hbm>>
    %dma_start3A_816 = tpu.memref_squeeze %dma_start3A_815 : memref<1x128x49152xf32, #tpu.memory_space<hbm>> -> memref<128x49152xf32, #tpu.memory_space<hbm>>
    %dma_start3A_817 = arith.constant 0 : i32
    %dma_start3A_818 = tpu.memref_slice %dma_start3A_816[%add3A_808, %dma_start3A_817] : memref<128x49152xf32, #tpu.memory_space<hbm>> -> memref<1x49152xf32, #tpu.memory_space<hbm>>
    %dma_start3A_819 = arith.constant 0 : i32
    %dma_start3A_820 = arith.constant 0 : i32
    %dma_start3A_821 = tpu.memref_slice %arg3[%dma_start3A_809, %dma_start3A_819, %dma_start3A_820] : memref<8x128x49152xf32, #tpu.memory_space<hbm>> -> memref<1x128x49152xf32, #tpu.memory_space<hbm>>
    %dma_start3A_822 = tpu.memref_squeeze %dma_start3A_821 : memref<1x128x49152xf32, #tpu.memory_space<hbm>> -> memref<128x49152xf32, #tpu.memory_space<hbm>>
    %dma_start3A_823 = arith.constant 0 : i32
    %dma_start3A_824 = tpu.memref_slice %dma_start3A_822[%add3A_808, %dma_start3A_823] : memref<128x49152xf32, #tpu.memory_space<hbm>> -> memref<1x49152xf32, #tpu.memory_space<hbm>>
    %dma_start3A_825 = arith.constant 0 : i32
    %dma_start3A_826 = arith.constant 0 : i32
    %dma_start3A_827 = tpu.memref_slice %arg4[%dma_start3A_825, %dma_start3A_826] : memref<2x49152xf32, #tpu.memory_space<vmem>> -> memref<1x49152xf32, #tpu.memory_space<vmem>>
    tpu.enqueue_dma source(%dma_start3A_827 : memref<1x49152xf32, #tpu.memory_space<vmem>>) target(%dma_start3A_824 : memref<1x49152xf32, #tpu.memory_space<hbm>>) target_semaphore(%arg6 : memref<!tpu.dma_semaphore, #tpu.memory_space<semaphore_mem>>)
    %add3A_828 = arith.constant 2 : i32
    %add3A_829 = arith.addi %mul3A_2, %add3A_828 : i32
    %dma_start3A_830 = arith.constant 5 : i32
    %dma_start3A_831 = arith.constant 0 : i32
    %dma_start3A_832 = arith.constant 0 : i32
    %dma_start3A_833 = tpu.memref_slice %arg4[%dma_start3A_831, %dma_start3A_832] : memref<2x49152xf32, #tpu.memory_space<vmem>> -> memref<1x49152xf32, #tpu.memory_space<vmem>>
    %dma_start3A_834 = arith.constant 0 : i32
    %dma_start3A_835 = arith.constant 0 : i32
    %dma_start3A_836 = tpu.memref_slice %arg3[%dma_start3A_830, %dma_start3A_834, %dma_start3A_835] : memref<8x128x49152xf32, #tpu.memory_space<hbm>> -> memref<1x128x49152xf32, #tpu.memory_space<hbm>>
    %dma_start3A_837 = tpu.memref_squeeze %dma_start3A_836 : memref<1x128x49152xf32, #tpu.memory_space<hbm>> -> memref<128x49152xf32, #tpu.memory_space<hbm>>
    %dma_start3A_838 = arith.constant 0 : i32
    %dma_start3A_839 = tpu.memref_slice %dma_start3A_837[%add3A_829, %dma_start3A_838] : memref<128x49152xf32, #tpu.memory_space<hbm>> -> memref<1x49152xf32, #tpu.memory_space<hbm>>
    %dma_start3A_840 = arith.constant 0 : i32
    %dma_start3A_841 = arith.constant 0 : i32
    %dma_start3A_842 = tpu.memref_slice %arg3[%dma_start3A_830, %dma_start3A_840, %dma_start3A_841] : memref<8x128x49152xf32, #tpu.memory_space<hbm>> -> memref<1x128x49152xf32, #tpu.memory_space<hbm>>
    %dma_start3A_843 = tpu.memref_squeeze %dma_start3A_842 : memref<1x128x49152xf32, #tpu.memory_space<hbm>> -> memref<128x49152xf32, #tpu.memory_space<hbm>>
    %dma_start3A_844 = arith.constant 0 : i32
    %dma_start3A_845 = tpu.memref_slice %dma_start3A_843[%add3A_829, %dma_start3A_844] : memref<128x49152xf32, #tpu.memory_space<hbm>> -> memref<1x49152xf32, #tpu.memory_space<hbm>>
    %dma_start3A_846 = arith.constant 0 : i32
    %dma_start3A_847 = arith.constant 0 : i32
    %dma_start3A_848 = tpu.memref_slice %arg4[%dma_start3A_846, %dma_start3A_847] : memref<2x49152xf32, #tpu.memory_space<vmem>> -> memref<1x49152xf32, #tpu.memory_space<vmem>>
    tpu.enqueue_dma source(%dma_start3A_848 : memref<1x49152xf32, #tpu.memory_space<vmem>>) target(%dma_start3A_845 : memref<1x49152xf32, #tpu.memory_space<hbm>>) target_semaphore(%arg6 : memref<!tpu.dma_semaphore, #tpu.memory_space<semaphore_mem>>)
    %add3A_849 = arith.constant 2 : i32
    %add3A_850 = arith.addi %mul3A_2, %add3A_849 : i32
    %dma_start3A_851 = arith.constant 6 : i32
    %dma_start3A_852 = arith.constant 0 : i32
    %dma_start3A_853 = arith.constant 0 : i32
    %dma_start3A_854 = tpu.memref_slice %arg4[%dma_start3A_852, %dma_start3A_853] : memref<2x49152xf32, #tpu.memory_space<vmem>> -> memref<1x49152xf32, #tpu.memory_space<vmem>>
    %dma_start3A_855 = arith.constant 0 : i32
    %dma_start3A_856 = arith.constant 0 : i32
    %dma_start3A_857 = tpu.memref_slice %arg3[%dma_start3A_851, %dma_start3A_855, %dma_start3A_856] : memref<8x128x49152xf32, #tpu.memory_space<hbm>> -> memref<1x128x49152xf32, #tpu.memory_space<hbm>>
    %dma_start3A_858 = tpu.memref_squeeze %dma_start3A_857 : memref<1x128x49152xf32, #tpu.memory_space<hbm>> -> memref<128x49152xf32, #tpu.memory_space<hbm>>
    %dma_start3A_859 = arith.constant 0 : i32
    %dma_start3A_860 = tpu.memref_slice %dma_start3A_858[%add3A_850, %dma_start3A_859] : memref<128x49152xf32, #tpu.memory_space<hbm>> -> memref<1x49152xf32, #tpu.memory_space<hbm>>
    %dma_start3A_861 = arith.constant 0 : i32
    %dma_start3A_862 = arith.constant 0 : i32
    %dma_start3A_863 = tpu.memref_slice %arg3[%dma_start3A_851, %dma_start3A_861, %dma_start3A_862] : memref<8x128x49152xf32, #tpu.memory_space<hbm>> -> memref<1x128x49152xf32, #tpu.memory_space<hbm>>
    %dma_start3A_864 = tpu.memref_squeeze %dma_start3A_863 : memref<1x128x49152xf32, #tpu.memory_space<hbm>> -> memref<128x49152xf32, #tpu.memory_space<hbm>>
    %dma_start3A_865 = arith.constant 0 : i32
    %dma_start3A_866 = tpu.memref_slice %dma_start3A_864[%add3A_850, %dma_start3A_865] : memref<128x49152xf32, #tpu.memory_space<hbm>> -> memref<1x49152xf32, #tpu.memory_space<hbm>>
    %dma_start3A_867 = arith.constant 0 : i32
    %dma_start3A_868 = arith.constant 0 : i32
    %dma_start3A_869 = tpu.memref_slice %arg4[%dma_start3A_867, %dma_start3A_868] : memref<2x49152xf32, #tpu.memory_space<vmem>> -> memref<1x49152xf32, #tpu.memory_space<vmem>>
    tpu.enqueue_dma source(%dma_start3A_869 : memref<1x49152xf32, #tpu.memory_space<vmem>>) target(%dma_start3A_866 : memref<1x49152xf32, #tpu.memory_space<hbm>>) target_semaphore(%arg6 : memref<!tpu.dma_semaphore, #tpu.memory_space<semaphore_mem>>)
    %add3A_870 = arith.constant 2 : i32
    %add3A_871 = arith.addi %mul3A_2, %add3A_870 : i32
    %dma_start3A_872 = arith.constant 7 : i32
    %dma_start3A_873 = arith.constant 0 : i32
    %dma_start3A_874 = arith.constant 0 : i32
    %dma_start3A_875 = tpu.memref_slice %arg4[%dma_start3A_873, %dma_start3A_874] : memref<2x49152xf32, #tpu.memory_space<vmem>> -> memref<1x49152xf32, #tpu.memory_space<vmem>>
    %dma_start3A_876 = arith.constant 0 : i32
    %dma_start3A_877 = arith.constant 0 : i32
    %dma_start3A_878 = tpu.memref_slice %arg3[%dma_start3A_872, %dma_start3A_876, %dma_start3A_877] : memref<8x128x49152xf32, #tpu.memory_space<hbm>> -> memref<1x128x49152xf32, #tpu.memory_space<hbm>>
    %dma_start3A_879 = tpu.memref_squeeze %dma_start3A_878 : memref<1x128x49152xf32, #tpu.memory_space<hbm>> -> memref<128x49152xf32, #tpu.memory_space<hbm>>
    %dma_start3A_880 = arith.constant 0 : i32
    %dma_start3A_881 = tpu.memref_slice %dma_start3A_879[%add3A_871, %dma_start3A_880] : memref<128x49152xf32, #tpu.memory_space<hbm>> -> memref<1x49152xf32, #tpu.memory_space<hbm>>
    %dma_start3A_882 = arith.constant 0 : i32
    %dma_start3A_883 = arith.constant 0 : i32
    %dma_start3A_884 = tpu.memref_slice %arg3[%dma_start3A_872, %dma_start3A_882, %dma_start3A_883] : memref<8x128x49152xf32, #tpu.memory_space<hbm>> -> memref<1x128x49152xf32, #tpu.memory_space<hbm>>
    %dma_start3A_885 = tpu.memref_squeeze %dma_start3A_884 : memref<1x128x49152xf32, #tpu.memory_space<hbm>> -> memref<128x49152xf32, #tpu.memory_space<hbm>>
    %dma_start3A_886 = arith.constant 0 : i32
    %dma_start3A_887 = tpu.memref_slice %dma_start3A_885[%add3A_871, %dma_start3A_886] : memref<128x49152xf32, #tpu.memory_space<hbm>> -> memref<1x49152xf32, #tpu.memory_space<hbm>>
    %dma_start3A_888 = arith.constant 0 : i32
    %dma_start3A_889 = arith.constant 0 : i32
    %dma_start3A_890 = tpu.memref_slice %arg4[%dma_start3A_888, %dma_start3A_889] : memref<2x49152xf32, #tpu.memory_space<vmem>> -> memref<1x49152xf32, #tpu.memory_space<vmem>>
    tpu.enqueue_dma source(%dma_start3A_890 : memref<1x49152xf32, #tpu.memory_space<vmem>>) target(%dma_start3A_887 : memref<1x49152xf32, #tpu.memory_space<hbm>>) target_semaphore(%arg6 : memref<!tpu.dma_semaphore, #tpu.memory_space<semaphore_mem>>)
    %dma_wait3A_891 = arith.constant 0 : i32
    %dma_wait3A_892 = arith.constant 0 : i32
    %dma_wait3A_893 = arith.constant 0 : i32
    %dma_wait3A_894 = tpu.memref_slice %arg4[%dma_wait3A_892, %dma_wait3A_893] : memref<2x49152xf32, #tpu.memory_space<vmem>> -> memref<1x49152xf32, #tpu.memory_space<vmem>>
    %dma_wait3A_895 = arith.constant 0 : i32
    %dma_wait3A_896 = arith.constant 0 : i32
    %dma_wait3A_897 = tpu.memref_slice %arg3[%dma_wait3A_891, %dma_wait3A_895, %dma_wait3A_896] : memref<8x128x49152xf32, #tpu.memory_space<hbm>> -> memref<1x128x49152xf32, #tpu.memory_space<hbm>>
    %dma_wait3A_898 = tpu.memref_squeeze %dma_wait3A_897 : memref<1x128x49152xf32, #tpu.memory_space<hbm>> -> memref<128x49152xf32, #tpu.memory_space<hbm>>
    %dma_wait3A_899 = arith.constant 0 : i32
    %dma_wait3A_900 = tpu.memref_slice %dma_wait3A_898[%add3A_724, %dma_wait3A_899] : memref<128x49152xf32, #tpu.memory_space<hbm>> -> memref<1x49152xf32, #tpu.memory_space<hbm>>
    %dma_wait3A_901 = arith.constant 0 : i32
    %dma_wait3A_902 = arith.constant 0 : i32
    %dma_wait3A_903 = tpu.memref_slice %arg3[%dma_wait3A_891, %dma_wait3A_901, %dma_wait3A_902] : memref<8x128x49152xf32, #tpu.memory_space<hbm>> -> memref<1x128x49152xf32, #tpu.memory_space<hbm>>
    %dma_wait3A_904 = tpu.memref_squeeze %dma_wait3A_903 : memref<1x128x49152xf32, #tpu.memory_space<hbm>> -> memref<128x49152xf32, #tpu.memory_space<hbm>>
    %dma_wait3A_905 = arith.constant 0 : i32
    %dma_wait3A_906 = tpu.memref_slice %dma_wait3A_904[%add3A_724, %dma_wait3A_905] : memref<128x49152xf32, #tpu.memory_space<hbm>> -> memref<1x49152xf32, #tpu.memory_space<hbm>>
    %dma_wait3A_907 = arith.constant 0 : i32
    %dma_wait3A_908 = arith.constant 0 : i32
    %dma_wait3A_909 = tpu.memref_slice %arg4[%dma_wait3A_907, %dma_wait3A_908] : memref<2x49152xf32, #tpu.memory_space<vmem>> -> memref<1x49152xf32, #tpu.memory_space<vmem>>
    tpu.wait_dma2 semaphore(%arg6 : memref<!tpu.dma_semaphore, #tpu.memory_space<semaphore_mem>>) src(%dma_wait3A_909 : memref<1x49152xf32, #tpu.memory_space<vmem>>) dst(%dma_wait3A_906 : memref<1x49152xf32, #tpu.memory_space<hbm>>)
    %dma_wait3A_910 = arith.constant 1 : i32
    %dma_wait3A_911 = arith.constant 0 : i32
    %dma_wait3A_912 = arith.constant 0 : i32
    %dma_wait3A_913 = tpu.memref_slice %arg4[%dma_wait3A_911, %dma_wait3A_912] : memref<2x49152xf32, #tpu.memory_space<vmem>> -> memref<1x49152xf32, #tpu.memory_space<vmem>>
    %dma_wait3A_914 = arith.constant 0 : i32
    %dma_wait3A_915 = arith.constant 0 : i32
    %dma_wait3A_916 = tpu.memref_slice %arg3[%dma_wait3A_910, %dma_wait3A_914, %dma_wait3A_915] : memref<8x128x49152xf32, #tpu.memory_space<hbm>> -> memref<1x128x49152xf32, #tpu.memory_space<hbm>>
    %dma_wait3A_917 = tpu.memref_squeeze %dma_wait3A_916 : memref<1x128x49152xf32, #tpu.memory_space<hbm>> -> memref<128x49152xf32, #tpu.memory_space<hbm>>
    %dma_wait3A_918 = arith.constant 0 : i32
    %dma_wait3A_919 = tpu.memref_slice %dma_wait3A_917[%add3A_745, %dma_wait3A_918] : memref<128x49152xf32, #tpu.memory_space<hbm>> -> memref<1x49152xf32, #tpu.memory_space<hbm>>
    %dma_wait3A_920 = arith.constant 0 : i32
    %dma_wait3A_921 = arith.constant 0 : i32
    %dma_wait3A_922 = tpu.memref_slice %arg3[%dma_wait3A_910, %dma_wait3A_920, %dma_wait3A_921] : memref<8x128x49152xf32, #tpu.memory_space<hbm>> -> memref<1x128x49152xf32, #tpu.memory_space<hbm>>
    %dma_wait3A_923 = tpu.memref_squeeze %dma_wait3A_922 : memref<1x128x49152xf32, #tpu.memory_space<hbm>> -> memref<128x49152xf32, #tpu.memory_space<hbm>>
    %dma_wait3A_924 = arith.constant 0 : i32
    %dma_wait3A_925 = tpu.memref_slice %dma_wait3A_923[%add3A_745, %dma_wait3A_924] : memref<128x49152xf32, #tpu.memory_space<hbm>> -> memref<1x49152xf32, #tpu.memory_space<hbm>>
    %dma_wait3A_926 = arith.constant 0 : i32
    %dma_wait3A_927 = arith.constant 0 : i32
    %dma_wait3A_928 = tpu.memref_slice %arg4[%dma_wait3A_926, %dma_wait3A_927] : memref<2x49152xf32, #tpu.memory_space<vmem>> -> memref<1x49152xf32, #tpu.memory_space<vmem>>
    tpu.wait_dma2 semaphore(%arg6 : memref<!tpu.dma_semaphore, #tpu.memory_space<semaphore_mem>>) src(%dma_wait3A_928 : memref<1x49152xf32, #tpu.memory_space<vmem>>) dst(%dma_wait3A_925 : memref<1x49152xf32, #tpu.memory_space<hbm>>)
    %dma_wait3A_929 = arith.constant 2 : i32
    %dma_wait3A_930 = arith.constant 0 : i32
    %dma_wait3A_931 = arith.constant 0 : i32
    %dma_wait3A_932 = tpu.memref_slice %arg4[%dma_wait3A_930, %dma_wait3A_931] : memref<2x49152xf32, #tpu.memory_space<vmem>> -> memref<1x49152xf32, #tpu.memory_space<vmem>>
    %dma_wait3A_933 = arith.constant 0 : i32
    %dma_wait3A_934 = arith.constant 0 : i32
    %dma_wait3A_935 = tpu.memref_slice %arg3[%dma_wait3A_929, %dma_wait3A_933, %dma_wait3A_934] : memref<8x128x49152xf32, #tpu.memory_space<hbm>> -> memref<1x128x49152xf32, #tpu.memory_space<hbm>>
    %dma_wait3A_936 = tpu.memref_squeeze %dma_wait3A_935 : memref<1x128x49152xf32, #tpu.memory_space<hbm>> -> memref<128x49152xf32, #tpu.memory_space<hbm>>
    %dma_wait3A_937 = arith.constant 0 : i32
    %dma_wait3A_938 = tpu.memref_slice %dma_wait3A_936[%add3A_766, %dma_wait3A_937] : memref<128x49152xf32, #tpu.memory_space<hbm>> -> memref<1x49152xf32, #tpu.memory_space<hbm>>
    %dma_wait3A_939 = arith.constant 0 : i32
    %dma_wait3A_940 = arith.constant 0 : i32
    %dma_wait3A_941 = tpu.memref_slice %arg3[%dma_wait3A_929, %dma_wait3A_939, %dma_wait3A_940] : memref<8x128x49152xf32, #tpu.memory_space<hbm>> -> memref<1x128x49152xf32, #tpu.memory_space<hbm>>
    %dma_wait3A_942 = tpu.memref_squeeze %dma_wait3A_941 : memref<1x128x49152xf32, #tpu.memory_space<hbm>> -> memref<128x49152xf32, #tpu.memory_space<hbm>>
    %dma_wait3A_943 = arith.constant 0 : i32
    %dma_wait3A_944 = tpu.memref_slice %dma_wait3A_942[%add3A_766, %dma_wait3A_943] : memref<128x49152xf32, #tpu.memory_space<hbm>> -> memref<1x49152xf32, #tpu.memory_space<hbm>>
    %dma_wait3A_945 = arith.constant 0 : i32
    %dma_wait3A_946 = arith.constant 0 : i32
    %dma_wait3A_947 = tpu.memref_slice %arg4[%dma_wait3A_945, %dma_wait3A_946] : memref<2x49152xf32, #tpu.memory_space<vmem>> -> memref<1x49152xf32, #tpu.memory_space<vmem>>
    tpu.wait_dma2 semaphore(%arg6 : memref<!tpu.dma_semaphore, #tpu.memory_space<semaphore_mem>>) src(%dma_wait3A_947 : memref<1x49152xf32, #tpu.memory_space<vmem>>) dst(%dma_wait3A_944 : memref<1x49152xf32, #tpu.memory_space<hbm>>)
    %dma_wait3A_948 = arith.constant 3 : i32
    %dma_wait3A_949 = arith.constant 0 : i32
    %dma_wait3A_950 = arith.constant 0 : i32
    %dma_wait3A_951 = tpu.memref_slice %arg4[%dma_wait3A_949, %dma_wait3A_950] : memref<2x49152xf32, #tpu.memory_space<vmem>> -> memref<1x49152xf32, #tpu.memory_space<vmem>>
    %dma_wait3A_952 = arith.constant 0 : i32
    %dma_wait3A_953 = arith.constant 0 : i32
    %dma_wait3A_954 = tpu.memref_slice %arg3[%dma_wait3A_948, %dma_wait3A_952, %dma_wait3A_953] : memref<8x128x49152xf32, #tpu.memory_space<hbm>> -> memref<1x128x49152xf32, #tpu.memory_space<hbm>>
    %dma_wait3A_955 = tpu.memref_squeeze %dma_wait3A_954 : memref<1x128x49152xf32, #tpu.memory_space<hbm>> -> memref<128x49152xf32, #tpu.memory_space<hbm>>
    %dma_wait3A_956 = arith.constant 0 : i32
    %dma_wait3A_957 = tpu.memref_slice %dma_wait3A_955[%add3A_787, %dma_wait3A_956] : memref<128x49152xf32, #tpu.memory_space<hbm>> -> memref<1x49152xf32, #tpu.memory_space<hbm>>
    %dma_wait3A_958 = arith.constant 0 : i32
    %dma_wait3A_959 = arith.constant 0 : i32
    %dma_wait3A_960 = tpu.memref_slice %arg3[%dma_wait3A_948, %dma_wait3A_958, %dma_wait3A_959] : memref<8x128x49152xf32, #tpu.memory_space<hbm>> -> memref<1x128x49152xf32, #tpu.memory_space<hbm>>
    %dma_wait3A_961 = tpu.memref_squeeze %dma_wait3A_960 : memref<1x128x49152xf32, #tpu.memory_space<hbm>> -> memref<128x49152xf32, #tpu.memory_space<hbm>>
    %dma_wait3A_962 = arith.constant 0 : i32
    %dma_wait3A_963 = tpu.memref_slice %dma_wait3A_961[%add3A_787, %dma_wait3A_962] : memref<128x49152xf32, #tpu.memory_space<hbm>> -> memref<1x49152xf32, #tpu.memory_space<hbm>>
    %dma_wait3A_964 = arith.constant 0 : i32
    %dma_wait3A_965 = arith.constant 0 : i32
    %dma_wait3A_966 = tpu.memref_slice %arg4[%dma_wait3A_964, %dma_wait3A_965] : memref<2x49152xf32, #tpu.memory_space<vmem>> -> memref<1x49152xf32, #tpu.memory_space<vmem>>
    tpu.wait_dma2 semaphore(%arg6 : memref<!tpu.dma_semaphore, #tpu.memory_space<semaphore_mem>>) src(%dma_wait3A_966 : memref<1x49152xf32, #tpu.memory_space<vmem>>) dst(%dma_wait3A_963 : memref<1x49152xf32, #tpu.memory_space<hbm>>)
    %dma_wait3A_967 = arith.constant 4 : i32
    %dma_wait3A_968 = arith.constant 0 : i32
    %dma_wait3A_969 = arith.constant 0 : i32
    %dma_wait3A_970 = tpu.memref_slice %arg4[%dma_wait3A_968, %dma_wait3A_969] : memref<2x49152xf32, #tpu.memory_space<vmem>> -> memref<1x49152xf32, #tpu.memory_space<vmem>>
    %dma_wait3A_971 = arith.constant 0 : i32
    %dma_wait3A_972 = arith.constant 0 : i32
    %dma_wait3A_973 = tpu.memref_slice %arg3[%dma_wait3A_967, %dma_wait3A_971, %dma_wait3A_972] : memref<8x128x49152xf32, #tpu.memory_space<hbm>> -> memref<1x128x49152xf32, #tpu.memory_space<hbm>>
    %dma_wait3A_974 = tpu.memref_squeeze %dma_wait3A_973 : memref<1x128x49152xf32, #tpu.memory_space<hbm>> -> memref<128x49152xf32, #tpu.memory_space<hbm>>
    %dma_wait3A_975 = arith.constant 0 : i32
    %dma_wait3A_976 = tpu.memref_slice %dma_wait3A_974[%add3A_808, %dma_wait3A_975] : memref<128x49152xf32, #tpu.memory_space<hbm>> -> memref<1x49152xf32, #tpu.memory_space<hbm>>
    %dma_wait3A_977 = arith.constant 0 : i32
    %dma_wait3A_978 = arith.constant 0 : i32
    %dma_wait3A_979 = tpu.memref_slice %arg3[%dma_wait3A_967, %dma_wait3A_977, %dma_wait3A_978] : memref<8x128x49152xf32, #tpu.memory_space<hbm>> -> memref<1x128x49152xf32, #tpu.memory_space<hbm>>
    %dma_wait3A_980 = tpu.memref_squeeze %dma_wait3A_979 : memref<1x128x49152xf32, #tpu.memory_space<hbm>> -> memref<128x49152xf32, #tpu.memory_space<hbm>>
    %dma_wait3A_981 = arith.constant 0 : i32
    %dma_wait3A_982 = tpu.memref_slice %dma_wait3A_980[%add3A_808, %dma_wait3A_981] : memref<128x49152xf32, #tpu.memory_space<hbm>> -> memref<1x49152xf32, #tpu.memory_space<hbm>>
    %dma_wait3A_983 = arith.constant 0 : i32
    %dma_wait3A_984 = arith.constant 0 : i32
    %dma_wait3A_985 = tpu.memref_slice %arg4[%dma_wait3A_983, %dma_wait3A_984] : memref<2x49152xf32, #tpu.memory_space<vmem>> -> memref<1x49152xf32, #tpu.memory_space<vmem>>
    tpu.wait_dma2 semaphore(%arg6 : memref<!tpu.dma_semaphore, #tpu.memory_space<semaphore_mem>>) src(%dma_wait3A_985 : memref<1x49152xf32, #tpu.memory_space<vmem>>) dst(%dma_wait3A_982 : memref<1x49152xf32, #tpu.memory_space<hbm>>)
    %dma_wait3A_986 = arith.constant 5 : i32
    %dma_wait3A_987 = arith.constant 0 : i32
    %dma_wait3A_988 = arith.constant 0 : i32
    %dma_wait3A_989 = tpu.memref_slice %arg4[%dma_wait3A_987, %dma_wait3A_988] : memref<2x49152xf32, #tpu.memory_space<vmem>> -> memref<1x49152xf32, #tpu.memory_space<vmem>>
    %dma_wait3A_990 = arith.constant 0 : i32
    %dma_wait3A_991 = arith.constant 0 : i32
    %dma_wait3A_992 = tpu.memref_slice %arg3[%dma_wait3A_986, %dma_wait3A_990, %dma_wait3A_991] : memref<8x128x49152xf32, #tpu.memory_space<hbm>> -> memref<1x128x49152xf32, #tpu.memory_space<hbm>>
    %dma_wait3A_993 = tpu.memref_squeeze %dma_wait3A_992 : memref<1x128x49152xf32, #tpu.memory_space<hbm>> -> memref<128x49152xf32, #tpu.memory_space<hbm>>
    %dma_wait3A_994 = arith.constant 0 : i32
    %dma_wait3A_995 = tpu.memref_slice %dma_wait3A_993[%add3A_829, %dma_wait3A_994] : memref<128x49152xf32, #tpu.memory_space<hbm>> -> memref<1x49152xf32, #tpu.memory_space<hbm>>
    %dma_wait3A_996 = arith.constant 0 : i32
    %dma_wait3A_997 = arith.constant 0 : i32
    %dma_wait3A_998 = tpu.memref_slice %arg3[%dma_wait3A_986, %dma_wait3A_996, %dma_wait3A_997] : memref<8x128x49152xf32, #tpu.memory_space<hbm>> -> memref<1x128x49152xf32, #tpu.memory_space<hbm>>
    %dma_wait3A_999 = tpu.memref_squeeze %dma_wait3A_998 : memref<1x128x49152xf32, #tpu.memory_space<hbm>> -> memref<128x49152xf32, #tpu.memory_space<hbm>>
    %dma_wait3A_1000 = arith.constant 0 : i32
    %dma_wait3A_1001 = tpu.memref_slice %dma_wait3A_999[%add3A_829, %dma_wait3A_1000] : memref<128x49152xf32, #tpu.memory_space<hbm>> -> memref<1x49152xf32, #tpu.memory_space<hbm>>
    %dma_wait3A_1002 = arith.constant 0 : i32
    %dma_wait3A_1003 = arith.constant 0 : i32
    %dma_wait3A_1004 = tpu.memref_slice %arg4[%dma_wait3A_1002, %dma_wait3A_1003] : memref<2x49152xf32, #tpu.memory_space<vmem>> -> memref<1x49152xf32, #tpu.memory_space<vmem>>
    tpu.wait_dma2 semaphore(%arg6 : memref<!tpu.dma_semaphore, #tpu.memory_space<semaphore_mem>>) src(%dma_wait3A_1004 : memref<1x49152xf32, #tpu.memory_space<vmem>>) dst(%dma_wait3A_1001 : memref<1x49152xf32, #tpu.memory_space<hbm>>)
    %dma_wait3A_1005 = arith.constant 6 : i32
    %dma_wait3A_1006 = arith.constant 0 : i32
    %dma_wait3A_1007 = arith.constant 0 : i32
    %dma_wait3A_1008 = tpu.memref_slice %arg4[%dma_wait3A_1006, %dma_wait3A_1007] : memref<2x49152xf32, #tpu.memory_space<vmem>> -> memref<1x49152xf32, #tpu.memory_space<vmem>>
    %dma_wait3A_1009 = arith.constant 0 : i32
    %dma_wait3A_1010 = arith.constant 0 : i32
    %dma_wait3A_1011 = tpu.memref_slice %arg3[%dma_wait3A_1005, %dma_wait3A_1009, %dma_wait3A_1010] : memref<8x128x49152xf32, #tpu.memory_space<hbm>> -> memref<1x128x49152xf32, #tpu.memory_space<hbm>>
    %dma_wait3A_1012 = tpu.memref_squeeze %dma_wait3A_1011 : memref<1x128x49152xf32, #tpu.memory_space<hbm>> -> memref<128x49152xf32, #tpu.memory_space<hbm>>
    %dma_wait3A_1013 = arith.constant 0 : i32
    %dma_wait3A_1014 = tpu.memref_slice %dma_wait3A_1012[%add3A_850, %dma_wait3A_1013] : memref<128x49152xf32, #tpu.memory_space<hbm>> -> memref<1x49152xf32, #tpu.memory_space<hbm>>
    %dma_wait3A_1015 = arith.constant 0 : i32
    %dma_wait3A_1016 = arith.constant 0 : i32
    %dma_wait3A_1017 = tpu.memref_slice %arg3[%dma_wait3A_1005, %dma_wait3A_1015, %dma_wait3A_1016] : memref<8x128x49152xf32, #tpu.memory_space<hbm>> -> memref<1x128x49152xf32, #tpu.memory_space<hbm>>
    %dma_wait3A_1018 = tpu.memref_squeeze %dma_wait3A_1017 : memref<1x128x49152xf32, #tpu.memory_space<hbm>> -> memref<128x49152xf32, #tpu.memory_space<hbm>>
    %dma_wait3A_1019 = arith.constant 0 : i32
    %dma_wait3A_1020 = tpu.memref_slice %dma_wait3A_1018[%add3A_850, %dma_wait3A_1019] : memref<128x49152xf32, #tpu.memory_space<hbm>> -> memref<1x49152xf32, #tpu.memory_space<hbm>>
    %dma_wait3A_1021 = arith.constant 0 : i32
    %dma_wait3A_1022 = arith.constant 0 : i32
    %dma_wait3A_1023 = tpu.memref_slice %arg4[%dma_wait3A_1021, %dma_wait3A_1022] : memref<2x49152xf32, #tpu.memory_space<vmem>> -> memref<1x49152xf32, #tpu.memory_space<vmem>>
    tpu.wait_dma2 semaphore(%arg6 : memref<!tpu.dma_semaphore, #tpu.memory_space<semaphore_mem>>) src(%dma_wait3A_1023 : memref<1x49152xf32, #tpu.memory_space<vmem>>) dst(%dma_wait3A_1020 : memref<1x49152xf32, #tpu.memory_space<hbm>>)
    %dma_wait3A_1024 = arith.constant 7 : i32
    %dma_wait3A_1025 = arith.constant 0 : i32
    %dma_wait3A_1026 = arith.constant 0 : i32
    %dma_wait3A_1027 = tpu.memref_slice %arg4[%dma_wait3A_1025, %dma_wait3A_1026] : memref<2x49152xf32, #tpu.memory_space<vmem>> -> memref<1x49152xf32, #tpu.memory_space<vmem>>
    %dma_wait3A_1028 = arith.constant 0 : i32
    %dma_wait3A_1029 = arith.constant 0 : i32
    %dma_wait3A_1030 = tpu.memref_slice %arg3[%dma_wait3A_1024, %dma_wait3A_1028, %dma_wait3A_1029] : memref<8x128x49152xf32, #tpu.memory_space<hbm>> -> memref<1x128x49152xf32, #tpu.memory_space<hbm>>
    %dma_wait3A_1031 = tpu.memref_squeeze %dma_wait3A_1030 : memref<1x128x49152xf32, #tpu.memory_space<hbm>> -> memref<128x49152xf32, #tpu.memory_space<hbm>>
    %dma_wait3A_1032 = arith.constant 0 : i32
    %dma_wait3A_1033 = tpu.memref_slice %dma_wait3A_1031[%add3A_871, %dma_wait3A_1032] : memref<128x49152xf32, #tpu.memory_space<hbm>> -> memref<1x49152xf32, #tpu.memory_space<hbm>>
    %dma_wait3A_1034 = arith.constant 0 : i32
    %dma_wait3A_1035 = arith.constant 0 : i32
    %dma_wait3A_1036 = tpu.memref_slice %arg3[%dma_wait3A_1024, %dma_wait3A_1034, %dma_wait3A_1035] : memref<8x128x49152xf32, #tpu.memory_space<hbm>> -> memref<1x128x49152xf32, #tpu.memory_space<hbm>>
    %dma_wait3A_1037 = tpu.memref_squeeze %dma_wait3A_1036 : memref<1x128x49152xf32, #tpu.memory_space<hbm>> -> memref<128x49152xf32, #tpu.memory_space<hbm>>
    %dma_wait3A_1038 = arith.constant 0 : i32
    %dma_wait3A_1039 = tpu.memref_slice %dma_wait3A_1037[%add3A_871, %dma_wait3A_1038] : memref<128x49152xf32, #tpu.memory_space<hbm>> -> memref<1x49152xf32, #tpu.memory_space<hbm>>
    %dma_wait3A_1040 = arith.constant 0 : i32
    %dma_wait3A_1041 = arith.constant 0 : i32
    %dma_wait3A_1042 = tpu.memref_slice %arg4[%dma_wait3A_1040, %dma_wait3A_1041] : memref<2x49152xf32, #tpu.memory_space<vmem>> -> memref<1x49152xf32, #tpu.memory_space<vmem>>
    tpu.wait_dma2 semaphore(%arg6 : memref<!tpu.dma_semaphore, #tpu.memory_space<semaphore_mem>>) src(%dma_wait3A_1042 : memref<1x49152xf32, #tpu.memory_space<vmem>>) dst(%dma_wait3A_1039 : memref<1x49152xf32, #tpu.memory_space<hbm>>)
    %dma_wait3A_1043 = arith.constant 1 : i32
    %dma_wait3A_1044 = arith.constant 0 : i32
    %dma_wait3A_1045 = tpu.memref_slice %arg4[%dma_wait3A_1043, %dma_wait3A_1044] : memref<2x49152xf32, #tpu.memory_space<vmem>> -> memref<1x49152xf32, #tpu.memory_space<vmem>>
    %dma_wait3A_1046 = arith.constant 0 : i32
    %dma_wait3A_1047 = tpu.memref_slice %arg2[%add3A_702, %dma_wait3A_1046] : memref<128x49152xf32, #tpu.memory_space<hbm>> -> memref<1x49152xf32, #tpu.memory_space<hbm>>
    %dma_wait3A_1048 = arith.constant 1 : i32
    %dma_wait3A_1049 = arith.constant 0 : i32
    %dma_wait3A_1050 = tpu.memref_slice %arg4[%dma_wait3A_1048, %dma_wait3A_1049] : memref<2x49152xf32, #tpu.memory_space<vmem>> -> memref<1x49152xf32, #tpu.memory_space<vmem>>
    %dma_wait3A_1051 = arith.constant 0 : i32
    %dma_wait3A_1052 = tpu.memref_slice %arg2[%add3A_702, %dma_wait3A_1051] : memref<128x49152xf32, #tpu.memory_space<hbm>> -> memref<1x49152xf32, #tpu.memory_space<hbm>>
    tpu.wait_dma2 semaphore(%arg5 : memref<!tpu.dma_semaphore, #tpu.memory_space<semaphore_mem>>) src(%dma_wait3A_1052 : memref<1x49152xf32, #tpu.memory_space<hbm>>) dst(%dma_wait3A_1050 : memref<1x49152xf32, #tpu.memory_space<vmem>>)
    %add3A_1053 = arith.constant 3 : i32
    %add3A_1054 = arith.addi %mul3A_2, %add3A_1053 : i32
    %dma_start3A_1055 = arith.constant 0 : i32
    %dma_start3A_1056 = arith.constant 1 : i32
    %dma_start3A_1057 = arith.constant 0 : i32
    %dma_start3A_1058 = tpu.memref_slice %arg4[%dma_start3A_1056, %dma_start3A_1057] : memref<2x49152xf32, #tpu.memory_space<vmem>> -> memref<1x49152xf32, #tpu.memory_space<vmem>>
    %dma_start3A_1059 = arith.constant 0 : i32
    %dma_start3A_1060 = arith.constant 0 : i32
    %dma_start3A_1061 = tpu.memref_slice %arg3[%dma_start3A_1055, %dma_start3A_1059, %dma_start3A_1060] : memref<8x128x49152xf32, #tpu.memory_space<hbm>> -> memref<1x128x49152xf32, #tpu.memory_space<hbm>>
    %dma_start3A_1062 = tpu.memref_squeeze %dma_start3A_1061 : memref<1x128x49152xf32, #tpu.memory_space<hbm>> -> memref<128x49152xf32, #tpu.memory_space<hbm>>
    %dma_start3A_1063 = arith.constant 0 : i32
    %dma_start3A_1064 = tpu.memref_slice %dma_start3A_1062[%add3A_1054, %dma_start3A_1063] : memref<128x49152xf32, #tpu.memory_space<hbm>> -> memref<1x49152xf32, #tpu.memory_space<hbm>>
    %dma_start3A_1065 = arith.constant 0 : i32
    %dma_start3A_1066 = arith.constant 0 : i32
    %dma_start3A_1067 = tpu.memref_slice %arg3[%dma_start3A_1055, %dma_start3A_1065, %dma_start3A_1066] : memref<8x128x49152xf32, #tpu.memory_space<hbm>> -> memref<1x128x49152xf32, #tpu.memory_space<hbm>>
    %dma_start3A_1068 = tpu.memref_squeeze %dma_start3A_1067 : memref<1x128x49152xf32, #tpu.memory_space<hbm>> -> memref<128x49152xf32, #tpu.memory_space<hbm>>
    %dma_start3A_1069 = arith.constant 0 : i32
    %dma_start3A_1070 = tpu.memref_slice %dma_start3A_1068[%add3A_1054, %dma_start3A_1069] : memref<128x49152xf32, #tpu.memory_space<hbm>> -> memref<1x49152xf32, #tpu.memory_space<hbm>>
    %dma_start3A_1071 = arith.constant 1 : i32
    %dma_start3A_1072 = arith.constant 0 : i32
    %dma_start3A_1073 = tpu.memref_slice %arg4[%dma_start3A_1071, %dma_start3A_1072] : memref<2x49152xf32, #tpu.memory_space<vmem>> -> memref<1x49152xf32, #tpu.memory_space<vmem>>
    tpu.enqueue_dma source(%dma_start3A_1073 : memref<1x49152xf32, #tpu.memory_space<vmem>>) target(%dma_start3A_1070 : memref<1x49152xf32, #tpu.memory_space<hbm>>) target_semaphore(%arg6 : memref<!tpu.dma_semaphore, #tpu.memory_space<semaphore_mem>>)
    %add3A_1074 = arith.constant 3 : i32
    %add3A_1075 = arith.addi %mul3A_2, %add3A_1074 : i32
    %dma_start3A_1076 = arith.constant 1 : i32
    %dma_start3A_1077 = arith.constant 1 : i32
    %dma_start3A_1078 = arith.constant 0 : i32
    %dma_start3A_1079 = tpu.memref_slice %arg4[%dma_start3A_1077, %dma_start3A_1078] : memref<2x49152xf32, #tpu.memory_space<vmem>> -> memref<1x49152xf32, #tpu.memory_space<vmem>>
    %dma_start3A_1080 = arith.constant 0 : i32
    %dma_start3A_1081 = arith.constant 0 : i32
    %dma_start3A_1082 = tpu.memref_slice %arg3[%dma_start3A_1076, %dma_start3A_1080, %dma_start3A_1081] : memref<8x128x49152xf32, #tpu.memory_space<hbm>> -> memref<1x128x49152xf32, #tpu.memory_space<hbm>>
    %dma_start3A_1083 = tpu.memref_squeeze %dma_start3A_1082 : memref<1x128x49152xf32, #tpu.memory_space<hbm>> -> memref<128x49152xf32, #tpu.memory_space<hbm>>
    %dma_start3A_1084 = arith.constant 0 : i32
    %dma_start3A_1085 = tpu.memref_slice %dma_start3A_1083[%add3A_1075, %dma_start3A_1084] : memref<128x49152xf32, #tpu.memory_space<hbm>> -> memref<1x49152xf32, #tpu.memory_space<hbm>>
    %dma_start3A_1086 = arith.constant 0 : i32
    %dma_start3A_1087 = arith.constant 0 : i32
    %dma_start3A_1088 = tpu.memref_slice %arg3[%dma_start3A_1076, %dma_start3A_1086, %dma_start3A_1087] : memref<8x128x49152xf32, #tpu.memory_space<hbm>> -> memref<1x128x49152xf32, #tpu.memory_space<hbm>>
    %dma_start3A_1089 = tpu.memref_squeeze %dma_start3A_1088 : memref<1x128x49152xf32, #tpu.memory_space<hbm>> -> memref<128x49152xf32, #tpu.memory_space<hbm>>
    %dma_start3A_1090 = arith.constant 0 : i32
    %dma_start3A_1091 = tpu.memref_slice %dma_start3A_1089[%add3A_1075, %dma_start3A_1090] : memref<128x49152xf32, #tpu.memory_space<hbm>> -> memref<1x49152xf32, #tpu.memory_space<hbm>>
    %dma_start3A_1092 = arith.constant 1 : i32
    %dma_start3A_1093 = arith.constant 0 : i32
    %dma_start3A_1094 = tpu.memref_slice %arg4[%dma_start3A_1092, %dma_start3A_1093] : memref<2x49152xf32, #tpu.memory_space<vmem>> -> memref<1x49152xf32, #tpu.memory_space<vmem>>
    tpu.enqueue_dma source(%dma_start3A_1094 : memref<1x49152xf32, #tpu.memory_space<vmem>>) target(%dma_start3A_1091 : memref<1x49152xf32, #tpu.memory_space<hbm>>) target_semaphore(%arg6 : memref<!tpu.dma_semaphore, #tpu.memory_space<semaphore_mem>>)
    %add3A_1095 = arith.constant 3 : i32
    %add3A_1096 = arith.addi %mul3A_2, %add3A_1095 : i32
    %dma_start3A_1097 = arith.constant 2 : i32
    %dma_start3A_1098 = arith.constant 1 : i32
    %dma_start3A_1099 = arith.constant 0 : i32
    %dma_start3A_1100 = tpu.memref_slice %arg4[%dma_start3A_1098, %dma_start3A_1099] : memref<2x49152xf32, #tpu.memory_space<vmem>> -> memref<1x49152xf32, #tpu.memory_space<vmem>>
    %dma_start3A_1101 = arith.constant 0 : i32
    %dma_start3A_1102 = arith.constant 0 : i32
    %dma_start3A_1103 = tpu.memref_slice %arg3[%dma_start3A_1097, %dma_start3A_1101, %dma_start3A_1102] : memref<8x128x49152xf32, #tpu.memory_space<hbm>> -> memref<1x128x49152xf32, #tpu.memory_space<hbm>>
    %dma_start3A_1104 = tpu.memref_squeeze %dma_start3A_1103 : memref<1x128x49152xf32, #tpu.memory_space<hbm>> -> memref<128x49152xf32, #tpu.memory_space<hbm>>
    %dma_start3A_1105 = arith.constant 0 : i32
    %dma_start3A_1106 = tpu.memref_slice %dma_start3A_1104[%add3A_1096, %dma_start3A_1105] : memref<128x49152xf32, #tpu.memory_space<hbm>> -> memref<1x49152xf32, #tpu.memory_space<hbm>>
    %dma_start3A_1107 = arith.constant 0 : i32
    %dma_start3A_1108 = arith.constant 0 : i32
    %dma_start3A_1109 = tpu.memref_slice %arg3[%dma_start3A_1097, %dma_start3A_1107, %dma_start3A_1108] : memref<8x128x49152xf32, #tpu.memory_space<hbm>> -> memref<1x128x49152xf32, #tpu.memory_space<hbm>>
    %dma_start3A_1110 = tpu.memref_squeeze %dma_start3A_1109 : memref<1x128x49152xf32, #tpu.memory_space<hbm>> -> memref<128x49152xf32, #tpu.memory_space<hbm>>
    %dma_start3A_1111 = arith.constant 0 : i32
    %dma_start3A_1112 = tpu.memref_slice %dma_start3A_1110[%add3A_1096, %dma_start3A_1111] : memref<128x49152xf32, #tpu.memory_space<hbm>> -> memref<1x49152xf32, #tpu.memory_space<hbm>>
    %dma_start3A_1113 = arith.constant 1 : i32
    %dma_start3A_1114 = arith.constant 0 : i32
    %dma_start3A_1115 = tpu.memref_slice %arg4[%dma_start3A_1113, %dma_start3A_1114] : memref<2x49152xf32, #tpu.memory_space<vmem>> -> memref<1x49152xf32, #tpu.memory_space<vmem>>
    tpu.enqueue_dma source(%dma_start3A_1115 : memref<1x49152xf32, #tpu.memory_space<vmem>>) target(%dma_start3A_1112 : memref<1x49152xf32, #tpu.memory_space<hbm>>) target_semaphore(%arg6 : memref<!tpu.dma_semaphore, #tpu.memory_space<semaphore_mem>>)
    %add3A_1116 = arith.constant 3 : i32
    %add3A_1117 = arith.addi %mul3A_2, %add3A_1116 : i32
    %dma_start3A_1118 = arith.constant 3 : i32
    %dma_start3A_1119 = arith.constant 1 : i32
    %dma_start3A_1120 = arith.constant 0 : i32
    %dma_start3A_1121 = tpu.memref_slice %arg4[%dma_start3A_1119, %dma_start3A_1120] : memref<2x49152xf32, #tpu.memory_space<vmem>> -> memref<1x49152xf32, #tpu.memory_space<vmem>>
    %dma_start3A_1122 = arith.constant 0 : i32
    %dma_start3A_1123 = arith.constant 0 : i32
    %dma_start3A_1124 = tpu.memref_slice %arg3[%dma_start3A_1118, %dma_start3A_1122, %dma_start3A_1123] : memref<8x128x49152xf32, #tpu.memory_space<hbm>> -> memref<1x128x49152xf32, #tpu.memory_space<hbm>>
    %dma_start3A_1125 = tpu.memref_squeeze %dma_start3A_1124 : memref<1x128x49152xf32, #tpu.memory_space<hbm>> -> memref<128x49152xf32, #tpu.memory_space<hbm>>
    %dma_start3A_1126 = arith.constant 0 : i32
    %dma_start3A_1127 = tpu.memref_slice %dma_start3A_1125[%add3A_1117, %dma_start3A_1126] : memref<128x49152xf32, #tpu.memory_space<hbm>> -> memref<1x49152xf32, #tpu.memory_space<hbm>>
    %dma_start3A_1128 = arith.constant 0 : i32
    %dma_start3A_1129 = arith.constant 0 : i32
    %dma_start3A_1130 = tpu.memref_slice %arg3[%dma_start3A_1118, %dma_start3A_1128, %dma_start3A_1129] : memref<8x128x49152xf32, #tpu.memory_space<hbm>> -> memref<1x128x49152xf32, #tpu.memory_space<hbm>>
    %dma_start3A_1131 = tpu.memref_squeeze %dma_start3A_1130 : memref<1x128x49152xf32, #tpu.memory_space<hbm>> -> memref<128x49152xf32, #tpu.memory_space<hbm>>
    %dma_start3A_1132 = arith.constant 0 : i32
    %dma_start3A_1133 = tpu.memref_slice %dma_start3A_1131[%add3A_1117, %dma_start3A_1132] : memref<128x49152xf32, #tpu.memory_space<hbm>> -> memref<1x49152xf32, #tpu.memory_space<hbm>>
    %dma_start3A_1134 = arith.constant 1 : i32
    %dma_start3A_1135 = arith.constant 0 : i32
    %dma_start3A_1136 = tpu.memref_slice %arg4[%dma_start3A_1134, %dma_start3A_1135] : memref<2x49152xf32, #tpu.memory_space<vmem>> -> memref<1x49152xf32, #tpu.memory_space<vmem>>
    tpu.enqueue_dma source(%dma_start3A_1136 : memref<1x49152xf32, #tpu.memory_space<vmem>>) target(%dma_start3A_1133 : memref<1x49152xf32, #tpu.memory_space<hbm>>) target_semaphore(%arg6 : memref<!tpu.dma_semaphore, #tpu.memory_space<semaphore_mem>>)
    %add3A_1137 = arith.constant 3 : i32
    %add3A_1138 = arith.addi %mul3A_2, %add3A_1137 : i32
    %dma_start3A_1139 = arith.constant 4 : i32
    %dma_start3A_1140 = arith.constant 1 : i32
    %dma_start3A_1141 = arith.constant 0 : i32
    %dma_start3A_1142 = tpu.memref_slice %arg4[%dma_start3A_1140, %dma_start3A_1141] : memref<2x49152xf32, #tpu.memory_space<vmem>> -> memref<1x49152xf32, #tpu.memory_space<vmem>>
    %dma_start3A_1143 = arith.constant 0 : i32
    %dma_start3A_1144 = arith.constant 0 : i32
    %dma_start3A_1145 = tpu.memref_slice %arg3[%dma_start3A_1139, %dma_start3A_1143, %dma_start3A_1144] : memref<8x128x49152xf32, #tpu.memory_space<hbm>> -> memref<1x128x49152xf32, #tpu.memory_space<hbm>>
    %dma_start3A_1146 = tpu.memref_squeeze %dma_start3A_1145 : memref<1x128x49152xf32, #tpu.memory_space<hbm>> -> memref<128x49152xf32, #tpu.memory_space<hbm>>
    %dma_start3A_1147 = arith.constant 0 : i32
    %dma_start3A_1148 = tpu.memref_slice %dma_start3A_1146[%add3A_1138, %dma_start3A_1147] : memref<128x49152xf32, #tpu.memory_space<hbm>> -> memref<1x49152xf32, #tpu.memory_space<hbm>>
    %dma_start3A_1149 = arith.constant 0 : i32
    %dma_start3A_1150 = arith.constant 0 : i32
    %dma_start3A_1151 = tpu.memref_slice %arg3[%dma_start3A_1139, %dma_start3A_1149, %dma_start3A_1150] : memref<8x128x49152xf32, #tpu.memory_space<hbm>> -> memref<1x128x49152xf32, #tpu.memory_space<hbm>>
    %dma_start3A_1152 = tpu.memref_squeeze %dma_start3A_1151 : memref<1x128x49152xf32, #tpu.memory_space<hbm>> -> memref<128x49152xf32, #tpu.memory_space<hbm>>
    %dma_start3A_1153 = arith.constant 0 : i32
    %dma_start3A_1154 = tpu.memref_slice %dma_start3A_1152[%add3A_1138, %dma_start3A_1153] : memref<128x49152xf32, #tpu.memory_space<hbm>> -> memref<1x49152xf32, #tpu.memory_space<hbm>>
    %dma_start3A_1155 = arith.constant 1 : i32
    %dma_start3A_1156 = arith.constant 0 : i32
    %dma_start3A_1157 = tpu.memref_slice %arg4[%dma_start3A_1155, %dma_start3A_1156] : memref<2x49152xf32, #tpu.memory_space<vmem>> -> memref<1x49152xf32, #tpu.memory_space<vmem>>
    tpu.enqueue_dma source(%dma_start3A_1157 : memref<1x49152xf32, #tpu.memory_space<vmem>>) target(%dma_start3A_1154 : memref<1x49152xf32, #tpu.memory_space<hbm>>) target_semaphore(%arg6 : memref<!tpu.dma_semaphore, #tpu.memory_space<semaphore_mem>>)
    %add3A_1158 = arith.constant 3 : i32
    %add3A_1159 = arith.addi %mul3A_2, %add3A_1158 : i32
    %dma_start3A_1160 = arith.constant 5 : i32
    %dma_start3A_1161 = arith.constant 1 : i32
    %dma_start3A_1162 = arith.constant 0 : i32
    %dma_start3A_1163 = tpu.memref_slice %arg4[%dma_start3A_1161, %dma_start3A_1162] : memref<2x49152xf32, #tpu.memory_space<vmem>> -> memref<1x49152xf32, #tpu.memory_space<vmem>>
    %dma_start3A_1164 = arith.constant 0 : i32
    %dma_start3A_1165 = arith.constant 0 : i32
    %dma_start3A_1166 = tpu.memref_slice %arg3[%dma_start3A_1160, %dma_start3A_1164, %dma_start3A_1165] : memref<8x128x49152xf32, #tpu.memory_space<hbm>> -> memref<1x128x49152xf32, #tpu.memory_space<hbm>>
    %dma_start3A_1167 = tpu.memref_squeeze %dma_start3A_1166 : memref<1x128x49152xf32, #tpu.memory_space<hbm>> -> memref<128x49152xf32, #tpu.memory_space<hbm>>
    %dma_start3A_1168 = arith.constant 0 : i32
    %dma_start3A_1169 = tpu.memref_slice %dma_start3A_1167[%add3A_1159, %dma_start3A_1168] : memref<128x49152xf32, #tpu.memory_space<hbm>> -> memref<1x49152xf32, #tpu.memory_space<hbm>>
    %dma_start3A_1170 = arith.constant 0 : i32
    %dma_start3A_1171 = arith.constant 0 : i32
    %dma_start3A_1172 = tpu.memref_slice %arg3[%dma_start3A_1160, %dma_start3A_1170, %dma_start3A_1171] : memref<8x128x49152xf32, #tpu.memory_space<hbm>> -> memref<1x128x49152xf32, #tpu.memory_space<hbm>>
    %dma_start3A_1173 = tpu.memref_squeeze %dma_start3A_1172 : memref<1x128x49152xf32, #tpu.memory_space<hbm>> -> memref<128x49152xf32, #tpu.memory_space<hbm>>
    %dma_start3A_1174 = arith.constant 0 : i32
    %dma_start3A_1175 = tpu.memref_slice %dma_start3A_1173[%add3A_1159, %dma_start3A_1174] : memref<128x49152xf32, #tpu.memory_space<hbm>> -> memref<1x49152xf32, #tpu.memory_space<hbm>>
    %dma_start3A_1176 = arith.constant 1 : i32
    %dma_start3A_1177 = arith.constant 0 : i32
    %dma_start3A_1178 = tpu.memref_slice %arg4[%dma_start3A_1176, %dma_start3A_1177] : memref<2x49152xf32, #tpu.memory_space<vmem>> -> memref<1x49152xf32, #tpu.memory_space<vmem>>
    tpu.enqueue_dma source(%dma_start3A_1178 : memref<1x49152xf32, #tpu.memory_space<vmem>>) target(%dma_start3A_1175 : memref<1x49152xf32, #tpu.memory_space<hbm>>) target_semaphore(%arg6 : memref<!tpu.dma_semaphore, #tpu.memory_space<semaphore_mem>>)
    %add3A_1179 = arith.constant 3 : i32
    %add3A_1180 = arith.addi %mul3A_2, %add3A_1179 : i32
    %dma_start3A_1181 = arith.constant 6 : i32
    %dma_start3A_1182 = arith.constant 1 : i32
    %dma_start3A_1183 = arith.constant 0 : i32
    %dma_start3A_1184 = tpu.memref_slice %arg4[%dma_start3A_1182, %dma_start3A_1183] : memref<2x49152xf32, #tpu.memory_space<vmem>> -> memref<1x49152xf32, #tpu.memory_space<vmem>>
    %dma_start3A_1185 = arith.constant 0 : i32
    %dma_start3A_1186 = arith.constant 0 : i32
    %dma_start3A_1187 = tpu.memref_slice %arg3[%dma_start3A_1181, %dma_start3A_1185, %dma_start3A_1186] : memref<8x128x49152xf32, #tpu.memory_space<hbm>> -> memref<1x128x49152xf32, #tpu.memory_space<hbm>>
    %dma_start3A_1188 = tpu.memref_squeeze %dma_start3A_1187 : memref<1x128x49152xf32, #tpu.memory_space<hbm>> -> memref<128x49152xf32, #tpu.memory_space<hbm>>
    %dma_start3A_1189 = arith.constant 0 : i32
    %dma_start3A_1190 = tpu.memref_slice %dma_start3A_1188[%add3A_1180, %dma_start3A_1189] : memref<128x49152xf32, #tpu.memory_space<hbm>> -> memref<1x49152xf32, #tpu.memory_space<hbm>>
    %dma_start3A_1191 = arith.constant 0 : i32
    %dma_start3A_1192 = arith.constant 0 : i32
    %dma_start3A_1193 = tpu.memref_slice %arg3[%dma_start3A_1181, %dma_start3A_1191, %dma_start3A_1192] : memref<8x128x49152xf32, #tpu.memory_space<hbm>> -> memref<1x128x49152xf32, #tpu.memory_space<hbm>>
    %dma_start3A_1194 = tpu.memref_squeeze %dma_start3A_1193 : memref<1x128x49152xf32, #tpu.memory_space<hbm>> -> memref<128x49152xf32, #tpu.memory_space<hbm>>
    %dma_start3A_1195 = arith.constant 0 : i32
    %dma_start3A_1196 = tpu.memref_slice %dma_start3A_1194[%add3A_1180, %dma_start3A_1195] : memref<128x49152xf32, #tpu.memory_space<hbm>> -> memref<1x49152xf32, #tpu.memory_space<hbm>>
    %dma_start3A_1197 = arith.constant 1 : i32
    %dma_start3A_1198 = arith.constant 0 : i32
    %dma_start3A_1199 = tpu.memref_slice %arg4[%dma_start3A_1197, %dma_start3A_1198] : memref<2x49152xf32, #tpu.memory_space<vmem>> -> memref<1x49152xf32, #tpu.memory_space<vmem>>
    tpu.enqueue_dma source(%dma_start3A_1199 : memref<1x49152xf32, #tpu.memory_space<vmem>>) target(%dma_start3A_1196 : memref<1x49152xf32, #tpu.memory_space<hbm>>) target_semaphore(%arg6 : memref<!tpu.dma_semaphore, #tpu.memory_space<semaphore_mem>>)
    %add3A_1200 = arith.constant 3 : i32
    %add3A_1201 = arith.addi %mul3A_2, %add3A_1200 : i32
    %dma_start3A_1202 = arith.constant 7 : i32
    %dma_start3A_1203 = arith.constant 1 : i32
    %dma_start3A_1204 = arith.constant 0 : i32
    %dma_start3A_1205 = tpu.memref_slice %arg4[%dma_start3A_1203, %dma_start3A_1204] : memref<2x49152xf32, #tpu.memory_space<vmem>> -> memref<1x49152xf32, #tpu.memory_space<vmem>>
    %dma_start3A_1206 = arith.constant 0 : i32
    %dma_start3A_1207 = arith.constant 0 : i32
    %dma_start3A_1208 = tpu.memref_slice %arg3[%dma_start3A_1202, %dma_start3A_1206, %dma_start3A_1207] : memref<8x128x49152xf32, #tpu.memory_space<hbm>> -> memref<1x128x49152xf32, #tpu.memory_space<hbm>>
    %dma_start3A_1209 = tpu.memref_squeeze %dma_start3A_1208 : memref<1x128x49152xf32, #tpu.memory_space<hbm>> -> memref<128x49152xf32, #tpu.memory_space<hbm>>
    %dma_start3A_1210 = arith.constant 0 : i32
    %dma_start3A_1211 = tpu.memref_slice %dma_start3A_1209[%add3A_1201, %dma_start3A_1210] : memref<128x49152xf32, #tpu.memory_space<hbm>> -> memref<1x49152xf32, #tpu.memory_space<hbm>>
    %dma_start3A_1212 = arith.constant 0 : i32
    %dma_start3A_1213 = arith.constant 0 : i32
    %dma_start3A_1214 = tpu.memref_slice %arg3[%dma_start3A_1202, %dma_start3A_1212, %dma_start3A_1213] : memref<8x128x49152xf32, #tpu.memory_space<hbm>> -> memref<1x128x49152xf32, #tpu.memory_space<hbm>>
    %dma_start3A_1215 = tpu.memref_squeeze %dma_start3A_1214 : memref<1x128x49152xf32, #tpu.memory_space<hbm>> -> memref<128x49152xf32, #tpu.memory_space<hbm>>
    %dma_start3A_1216 = arith.constant 0 : i32
    %dma_start3A_1217 = tpu.memref_slice %dma_start3A_1215[%add3A_1201, %dma_start3A_1216] : memref<128x49152xf32, #tpu.memory_space<hbm>> -> memref<1x49152xf32, #tpu.memory_space<hbm>>
    %dma_start3A_1218 = arith.constant 1 : i32
    %dma_start3A_1219 = arith.constant 0 : i32
    %dma_start3A_1220 = tpu.memref_slice %arg4[%dma_start3A_1218, %dma_start3A_1219] : memref<2x49152xf32, #tpu.memory_space<vmem>> -> memref<1x49152xf32, #tpu.memory_space<vmem>>
    tpu.enqueue_dma source(%dma_start3A_1220 : memref<1x49152xf32, #tpu.memory_space<vmem>>) target(%dma_start3A_1217 : memref<1x49152xf32, #tpu.memory_space<hbm>>) target_semaphore(%arg6 : memref<!tpu.dma_semaphore, #tpu.memory_space<semaphore_mem>>)
    %dma_wait3A_1221 = arith.constant 0 : i32
    %dma_wait3A_1222 = arith.constant 1 : i32
    %dma_wait3A_1223 = arith.constant 0 : i32
    %dma_wait3A_1224 = tpu.memref_slice %arg4[%dma_wait3A_1222, %dma_wait3A_1223] : memref<2x49152xf32, #tpu.memory_space<vmem>> -> memref<1x49152xf32, #tpu.memory_space<vmem>>
    %dma_wait3A_1225 = arith.constant 0 : i32
    %dma_wait3A_1226 = arith.constant 0 : i32
    %dma_wait3A_1227 = tpu.memref_slice %arg3[%dma_wait3A_1221, %dma_wait3A_1225, %dma_wait3A_1226] : memref<8x128x49152xf32, #tpu.memory_space<hbm>> -> memref<1x128x49152xf32, #tpu.memory_space<hbm>>
    %dma_wait3A_1228 = tpu.memref_squeeze %dma_wait3A_1227 : memref<1x128x49152xf32, #tpu.memory_space<hbm>> -> memref<128x49152xf32, #tpu.memory_space<hbm>>
    %dma_wait3A_1229 = arith.constant 0 : i32
    %dma_wait3A_1230 = tpu.memref_slice %dma_wait3A_1228[%add3A_1054, %dma_wait3A_1229] : memref<128x49152xf32, #tpu.memory_space<hbm>> -> memref<1x49152xf32, #tpu.memory_space<hbm>>
    %dma_wait3A_1231 = arith.constant 0 : i32
    %dma_wait3A_1232 = arith.constant 0 : i32
    %dma_wait3A_1233 = tpu.memref_slice %arg3[%dma_wait3A_1221, %dma_wait3A_1231, %dma_wait3A_1232] : memref<8x128x49152xf32, #tpu.memory_space<hbm>> -> memref<1x128x49152xf32, #tpu.memory_space<hbm>>
    %dma_wait3A_1234 = tpu.memref_squeeze %dma_wait3A_1233 : memref<1x128x49152xf32, #tpu.memory_space<hbm>> -> memref<128x49152xf32, #tpu.memory_space<hbm>>
    %dma_wait3A_1235 = arith.constant 0 : i32
    %dma_wait3A_1236 = tpu.memref_slice %dma_wait3A_1234[%add3A_1054, %dma_wait3A_1235] : memref<128x49152xf32, #tpu.memory_space<hbm>> -> memref<1x49152xf32, #tpu.memory_space<hbm>>
    %dma_wait3A_1237 = arith.constant 1 : i32
    %dma_wait3A_1238 = arith.constant 0 : i32
    %dma_wait3A_1239 = tpu.memref_slice %arg4[%dma_wait3A_1237, %dma_wait3A_1238] : memref<2x49152xf32, #tpu.memory_space<vmem>> -> memref<1x49152xf32, #tpu.memory_space<vmem>>
    tpu.wait_dma2 semaphore(%arg6 : memref<!tpu.dma_semaphore, #tpu.memory_space<semaphore_mem>>) src(%dma_wait3A_1239 : memref<1x49152xf32, #tpu.memory_space<vmem>>) dst(%dma_wait3A_1236 : memref<1x49152xf32, #tpu.memory_space<hbm>>)
    %dma_wait3A_1240 = arith.constant 1 : i32
    %dma_wait3A_1241 = arith.constant 1 : i32
    %dma_wait3A_1242 = arith.constant 0 : i32
    %dma_wait3A_1243 = tpu.memref_slice %arg4[%dma_wait3A_1241, %dma_wait3A_1242] : memref<2x49152xf32, #tpu.memory_space<vmem>> -> memref<1x49152xf32, #tpu.memory_space<vmem>>
    %dma_wait3A_1244 = arith.constant 0 : i32
    %dma_wait3A_1245 = arith.constant 0 : i32
    %dma_wait3A_1246 = tpu.memref_slice %arg3[%dma_wait3A_1240, %dma_wait3A_1244, %dma_wait3A_1245] : memref<8x128x49152xf32, #tpu.memory_space<hbm>> -> memref<1x128x49152xf32, #tpu.memory_space<hbm>>
    %dma_wait3A_1247 = tpu.memref_squeeze %dma_wait3A_1246 : memref<1x128x49152xf32, #tpu.memory_space<hbm>> -> memref<128x49152xf32, #tpu.memory_space<hbm>>
    %dma_wait3A_1248 = arith.constant 0 : i32
    %dma_wait3A_1249 = tpu.memref_slice %dma_wait3A_1247[%add3A_1075, %dma_wait3A_1248] : memref<128x49152xf32, #tpu.memory_space<hbm>> -> memref<1x49152xf32, #tpu.memory_space<hbm>>
    %dma_wait3A_1250 = arith.constant 0 : i32
    %dma_wait3A_1251 = arith.constant 0 : i32
    %dma_wait3A_1252 = tpu.memref_slice %arg3[%dma_wait3A_1240, %dma_wait3A_1250, %dma_wait3A_1251] : memref<8x128x49152xf32, #tpu.memory_space<hbm>> -> memref<1x128x49152xf32, #tpu.memory_space<hbm>>
    %dma_wait3A_1253 = tpu.memref_squeeze %dma_wait3A_1252 : memref<1x128x49152xf32, #tpu.memory_space<hbm>> -> memref<128x49152xf32, #tpu.memory_space<hbm>>
    %dma_wait3A_1254 = arith.constant 0 : i32
    %dma_wait3A_1255 = tpu.memref_slice %dma_wait3A_1253[%add3A_1075, %dma_wait3A_1254] : memref<128x49152xf32, #tpu.memory_space<hbm>> -> memref<1x49152xf32, #tpu.memory_space<hbm>>
    %dma_wait3A_1256 = arith.constant 1 : i32
    %dma_wait3A_1257 = arith.constant 0 : i32
    %dma_wait3A_1258 = tpu.memref_slice %arg4[%dma_wait3A_1256, %dma_wait3A_1257] : memref<2x49152xf32, #tpu.memory_space<vmem>> -> memref<1x49152xf32, #tpu.memory_space<vmem>>
    tpu.wait_dma2 semaphore(%arg6 : memref<!tpu.dma_semaphore, #tpu.memory_space<semaphore_mem>>) src(%dma_wait3A_1258 : memref<1x49152xf32, #tpu.memory_space<vmem>>) dst(%dma_wait3A_1255 : memref<1x49152xf32, #tpu.memory_space<hbm>>)
    %dma_wait3A_1259 = arith.constant 2 : i32
    %dma_wait3A_1260 = arith.constant 1 : i32
    %dma_wait3A_1261 = arith.constant 0 : i32
    %dma_wait3A_1262 = tpu.memref_slice %arg4[%dma_wait3A_1260, %dma_wait3A_1261] : memref<2x49152xf32, #tpu.memory_space<vmem>> -> memref<1x49152xf32, #tpu.memory_space<vmem>>
    %dma_wait3A_1263 = arith.constant 0 : i32
    %dma_wait3A_1264 = arith.constant 0 : i32
    %dma_wait3A_1265 = tpu.memref_slice %arg3[%dma_wait3A_1259, %dma_wait3A_1263, %dma_wait3A_1264] : memref<8x128x49152xf32, #tpu.memory_space<hbm>> -> memref<1x128x49152xf32, #tpu.memory_space<hbm>>
    %dma_wait3A_1266 = tpu.memref_squeeze %dma_wait3A_1265 : memref<1x128x49152xf32, #tpu.memory_space<hbm>> -> memref<128x49152xf32, #tpu.memory_space<hbm>>
    %dma_wait3A_1267 = arith.constant 0 : i32
    %dma_wait3A_1268 = tpu.memref_slice %dma_wait3A_1266[%add3A_1096, %dma_wait3A_1267] : memref<128x49152xf32, #tpu.memory_space<hbm>> -> memref<1x49152xf32, #tpu.memory_space<hbm>>
    %dma_wait3A_1269 = arith.constant 0 : i32
    %dma_wait3A_1270 = arith.constant 0 : i32
    %dma_wait3A_1271 = tpu.memref_slice %arg3[%dma_wait3A_1259, %dma_wait3A_1269, %dma_wait3A_1270] : memref<8x128x49152xf32, #tpu.memory_space<hbm>> -> memref<1x128x49152xf32, #tpu.memory_space<hbm>>
    %dma_wait3A_1272 = tpu.memref_squeeze %dma_wait3A_1271 : memref<1x128x49152xf32, #tpu.memory_space<hbm>> -> memref<128x49152xf32, #tpu.memory_space<hbm>>
    %dma_wait3A_1273 = arith.constant 0 : i32
    %dma_wait3A_1274 = tpu.memref_slice %dma_wait3A_1272[%add3A_1096, %dma_wait3A_1273] : memref<128x49152xf32, #tpu.memory_space<hbm>> -> memref<1x49152xf32, #tpu.memory_space<hbm>>
    %dma_wait3A_1275 = arith.constant 1 : i32
    %dma_wait3A_1276 = arith.constant 0 : i32
    %dma_wait3A_1277 = tpu.memref_slice %arg4[%dma_wait3A_1275, %dma_wait3A_1276] : memref<2x49152xf32, #tpu.memory_space<vmem>> -> memref<1x49152xf32, #tpu.memory_space<vmem>>
    tpu.wait_dma2 semaphore(%arg6 : memref<!tpu.dma_semaphore, #tpu.memory_space<semaphore_mem>>) src(%dma_wait3A_1277 : memref<1x49152xf32, #tpu.memory_space<vmem>>) dst(%dma_wait3A_1274 : memref<1x49152xf32, #tpu.memory_space<hbm>>)
    %dma_wait3A_1278 = arith.constant 3 : i32
    %dma_wait3A_1279 = arith.constant 1 : i32
    %dma_wait3A_1280 = arith.constant 0 : i32
    %dma_wait3A_1281 = tpu.memref_slice %arg4[%dma_wait3A_1279, %dma_wait3A_1280] : memref<2x49152xf32, #tpu.memory_space<vmem>> -> memref<1x49152xf32, #tpu.memory_space<vmem>>
    %dma_wait3A_1282 = arith.constant 0 : i32
    %dma_wait3A_1283 = arith.constant 0 : i32
    %dma_wait3A_1284 = tpu.memref_slice %arg3[%dma_wait3A_1278, %dma_wait3A_1282, %dma_wait3A_1283] : memref<8x128x49152xf32, #tpu.memory_space<hbm>> -> memref<1x128x49152xf32, #tpu.memory_space<hbm>>
    %dma_wait3A_1285 = tpu.memref_squeeze %dma_wait3A_1284 : memref<1x128x49152xf32, #tpu.memory_space<hbm>> -> memref<128x49152xf32, #tpu.memory_space<hbm>>
    %dma_wait3A_1286 = arith.constant 0 : i32
    %dma_wait3A_1287 = tpu.memref_slice %dma_wait3A_1285[%add3A_1117, %dma_wait3A_1286] : memref<128x49152xf32, #tpu.memory_space<hbm>> -> memref<1x49152xf32, #tpu.memory_space<hbm>>
    %dma_wait3A_1288 = arith.constant 0 : i32
    %dma_wait3A_1289 = arith.constant 0 : i32
    %dma_wait3A_1290 = tpu.memref_slice %arg3[%dma_wait3A_1278, %dma_wait3A_1288, %dma_wait3A_1289] : memref<8x128x49152xf32, #tpu.memory_space<hbm>> -> memref<1x128x49152xf32, #tpu.memory_space<hbm>>
    %dma_wait3A_1291 = tpu.memref_squeeze %dma_wait3A_1290 : memref<1x128x49152xf32, #tpu.memory_space<hbm>> -> memref<128x49152xf32, #tpu.memory_space<hbm>>
    %dma_wait3A_1292 = arith.constant 0 : i32
    %dma_wait3A_1293 = tpu.memref_slice %dma_wait3A_1291[%add3A_1117, %dma_wait3A_1292] : memref<128x49152xf32, #tpu.memory_space<hbm>> -> memref<1x49152xf32, #tpu.memory_space<hbm>>
    %dma_wait3A_1294 = arith.constant 1 : i32
    %dma_wait3A_1295 = arith.constant 0 : i32
    %dma_wait3A_1296 = tpu.memref_slice %arg4[%dma_wait3A_1294, %dma_wait3A_1295] : memref<2x49152xf32, #tpu.memory_space<vmem>> -> memref<1x49152xf32, #tpu.memory_space<vmem>>
    tpu.wait_dma2 semaphore(%arg6 : memref<!tpu.dma_semaphore, #tpu.memory_space<semaphore_mem>>) src(%dma_wait3A_1296 : memref<1x49152xf32, #tpu.memory_space<vmem>>) dst(%dma_wait3A_1293 : memref<1x49152xf32, #tpu.memory_space<hbm>>)
    %dma_wait3A_1297 = arith.constant 4 : i32
    %dma_wait3A_1298 = arith.constant 1 : i32
    %dma_wait3A_1299 = arith.constant 0 : i32
    %dma_wait3A_1300 = tpu.memref_slice %arg4[%dma_wait3A_1298, %dma_wait3A_1299] : memref<2x49152xf32, #tpu.memory_space<vmem>> -> memref<1x49152xf32, #tpu.memory_space<vmem>>
    %dma_wait3A_1301 = arith.constant 0 : i32
    %dma_wait3A_1302 = arith.constant 0 : i32
    %dma_wait3A_1303 = tpu.memref_slice %arg3[%dma_wait3A_1297, %dma_wait3A_1301, %dma_wait3A_1302] : memref<8x128x49152xf32, #tpu.memory_space<hbm>> -> memref<1x128x49152xf32, #tpu.memory_space<hbm>>
    %dma_wait3A_1304 = tpu.memref_squeeze %dma_wait3A_1303 : memref<1x128x49152xf32, #tpu.memory_space<hbm>> -> memref<128x49152xf32, #tpu.memory_space<hbm>>
    %dma_wait3A_1305 = arith.constant 0 : i32
    %dma_wait3A_1306 = tpu.memref_slice %dma_wait3A_1304[%add3A_1138, %dma_wait3A_1305] : memref<128x49152xf32, #tpu.memory_space<hbm>> -> memref<1x49152xf32, #tpu.memory_space<hbm>>
    %dma_wait3A_1307 = arith.constant 0 : i32
    %dma_wait3A_1308 = arith.constant 0 : i32
    %dma_wait3A_1309 = tpu.memref_slice %arg3[%dma_wait3A_1297, %dma_wait3A_1307, %dma_wait3A_1308] : memref<8x128x49152xf32, #tpu.memory_space<hbm>> -> memref<1x128x49152xf32, #tpu.memory_space<hbm>>
    %dma_wait3A_1310 = tpu.memref_squeeze %dma_wait3A_1309 : memref<1x128x49152xf32, #tpu.memory_space<hbm>> -> memref<128x49152xf32, #tpu.memory_space<hbm>>
    %dma_wait3A_1311 = arith.constant 0 : i32
    %dma_wait3A_1312 = tpu.memref_slice %dma_wait3A_1310[%add3A_1138, %dma_wait3A_1311] : memref<128x49152xf32, #tpu.memory_space<hbm>> -> memref<1x49152xf32, #tpu.memory_space<hbm>>
    %dma_wait3A_1313 = arith.constant 1 : i32
    %dma_wait3A_1314 = arith.constant 0 : i32
    %dma_wait3A_1315 = tpu.memref_slice %arg4[%dma_wait3A_1313, %dma_wait3A_1314] : memref<2x49152xf32, #tpu.memory_space<vmem>> -> memref<1x49152xf32, #tpu.memory_space<vmem>>
    tpu.wait_dma2 semaphore(%arg6 : memref<!tpu.dma_semaphore, #tpu.memory_space<semaphore_mem>>) src(%dma_wait3A_1315 : memref<1x49152xf32, #tpu.memory_space<vmem>>) dst(%dma_wait3A_1312 : memref<1x49152xf32, #tpu.memory_space<hbm>>)
    %dma_wait3A_1316 = arith.constant 5 : i32
    %dma_wait3A_1317 = arith.constant 1 : i32
    %dma_wait3A_1318 = arith.constant 0 : i32
    %dma_wait3A_1319 = tpu.memref_slice %arg4[%dma_wait3A_1317, %dma_wait3A_1318] : memref<2x49152xf32, #tpu.memory_space<vmem>> -> memref<1x49152xf32, #tpu.memory_space<vmem>>
    %dma_wait3A_1320 = arith.constant 0 : i32
    %dma_wait3A_1321 = arith.constant 0 : i32
    %dma_wait3A_1322 = tpu.memref_slice %arg3[%dma_wait3A_1316, %dma_wait3A_1320, %dma_wait3A_1321] : memref<8x128x49152xf32, #tpu.memory_space<hbm>> -> memref<1x128x49152xf32, #tpu.memory_space<hbm>>
    %dma_wait3A_1323 = tpu.memref_squeeze %dma_wait3A_1322 : memref<1x128x49152xf32, #tpu.memory_space<hbm>> -> memref<128x49152xf32, #tpu.memory_space<hbm>>
    %dma_wait3A_1324 = arith.constant 0 : i32
    %dma_wait3A_1325 = tpu.memref_slice %dma_wait3A_1323[%add3A_1159, %dma_wait3A_1324] : memref<128x49152xf32, #tpu.memory_space<hbm>> -> memref<1x49152xf32, #tpu.memory_space<hbm>>
    %dma_wait3A_1326 = arith.constant 0 : i32
    %dma_wait3A_1327 = arith.constant 0 : i32
    %dma_wait3A_1328 = tpu.memref_slice %arg3[%dma_wait3A_1316, %dma_wait3A_1326, %dma_wait3A_1327] : memref<8x128x49152xf32, #tpu.memory_space<hbm>> -> memref<1x128x49152xf32, #tpu.memory_space<hbm>>
    %dma_wait3A_1329 = tpu.memref_squeeze %dma_wait3A_1328 : memref<1x128x49152xf32, #tpu.memory_space<hbm>> -> memref<128x49152xf32, #tpu.memory_space<hbm>>
    %dma_wait3A_1330 = arith.constant 0 : i32
    %dma_wait3A_1331 = tpu.memref_slice %dma_wait3A_1329[%add3A_1159, %dma_wait3A_1330] : memref<128x49152xf32, #tpu.memory_space<hbm>> -> memref<1x49152xf32, #tpu.memory_space<hbm>>
    %dma_wait3A_1332 = arith.constant 1 : i32
    %dma_wait3A_1333 = arith.constant 0 : i32
    %dma_wait3A_1334 = tpu.memref_slice %arg4[%dma_wait3A_1332, %dma_wait3A_1333] : memref<2x49152xf32, #tpu.memory_space<vmem>> -> memref<1x49152xf32, #tpu.memory_space<vmem>>
    tpu.wait_dma2 semaphore(%arg6 : memref<!tpu.dma_semaphore, #tpu.memory_space<semaphore_mem>>) src(%dma_wait3A_1334 : memref<1x49152xf32, #tpu.memory_space<vmem>>) dst(%dma_wait3A_1331 : memref<1x49152xf32, #tpu.memory_space<hbm>>)
    %dma_wait3A_1335 = arith.constant 6 : i32
    %dma_wait3A_1336 = arith.constant 1 : i32
    %dma_wait3A_1337 = arith.constant 0 : i32
    %dma_wait3A_1338 = tpu.memref_slice %arg4[%dma_wait3A_1336, %dma_wait3A_1337] : memref<2x49152xf32, #tpu.memory_space<vmem>> -> memref<1x49152xf32, #tpu.memory_space<vmem>>
    %dma_wait3A_1339 = arith.constant 0 : i32
    %dma_wait3A_1340 = arith.constant 0 : i32
    %dma_wait3A_1341 = tpu.memref_slice %arg3[%dma_wait3A_1335, %dma_wait3A_1339, %dma_wait3A_1340] : memref<8x128x49152xf32, #tpu.memory_space<hbm>> -> memref<1x128x49152xf32, #tpu.memory_space<hbm>>
    %dma_wait3A_1342 = tpu.memref_squeeze %dma_wait3A_1341 : memref<1x128x49152xf32, #tpu.memory_space<hbm>> -> memref<128x49152xf32, #tpu.memory_space<hbm>>
    %dma_wait3A_1343 = arith.constant 0 : i32
    %dma_wait3A_1344 = tpu.memref_slice %dma_wait3A_1342[%add3A_1180, %dma_wait3A_1343] : memref<128x49152xf32, #tpu.memory_space<hbm>> -> memref<1x49152xf32, #tpu.memory_space<hbm>>
    %dma_wait3A_1345 = arith.constant 0 : i32
    %dma_wait3A_1346 = arith.constant 0 : i32
    %dma_wait3A_1347 = tpu.memref_slice %arg3[%dma_wait3A_1335, %dma_wait3A_1345, %dma_wait3A_1346] : memref<8x128x49152xf32, #tpu.memory_space<hbm>> -> memref<1x128x49152xf32, #tpu.memory_space<hbm>>
    %dma_wait3A_1348 = tpu.memref_squeeze %dma_wait3A_1347 : memref<1x128x49152xf32, #tpu.memory_space<hbm>> -> memref<128x49152xf32, #tpu.memory_space<hbm>>
    %dma_wait3A_1349 = arith.constant 0 : i32
    %dma_wait3A_1350 = tpu.memref_slice %dma_wait3A_1348[%add3A_1180, %dma_wait3A_1349] : memref<128x49152xf32, #tpu.memory_space<hbm>> -> memref<1x49152xf32, #tpu.memory_space<hbm>>
    %dma_wait3A_1351 = arith.constant 1 : i32
    %dma_wait3A_1352 = arith.constant 0 : i32
    %dma_wait3A_1353 = tpu.memref_slice %arg4[%dma_wait3A_1351, %dma_wait3A_1352] : memref<2x49152xf32, #tpu.memory_space<vmem>> -> memref<1x49152xf32, #tpu.memory_space<vmem>>
    tpu.wait_dma2 semaphore(%arg6 : memref<!tpu.dma_semaphore, #tpu.memory_space<semaphore_mem>>) src(%dma_wait3A_1353 : memref<1x49152xf32, #tpu.memory_space<vmem>>) dst(%dma_wait3A_1350 : memref<1x49152xf32, #tpu.memory_space<hbm>>)
    %dma_wait3A_1354 = arith.constant 7 : i32
    %dma_wait3A_1355 = arith.constant 1 : i32
    %dma_wait3A_1356 = arith.constant 0 : i32
    %dma_wait3A_1357 = tpu.memref_slice %arg4[%dma_wait3A_1355, %dma_wait3A_1356] : memref<2x49152xf32, #tpu.memory_space<vmem>> -> memref<1x49152xf32, #tpu.memory_space<vmem>>
    %dma_wait3A_1358 = arith.constant 0 : i32
    %dma_wait3A_1359 = arith.constant 0 : i32
    %dma_wait3A_1360 = tpu.memref_slice %arg3[%dma_wait3A_1354, %dma_wait3A_1358, %dma_wait3A_1359] : memref<8x128x49152xf32, #tpu.memory_space<hbm>> -> memref<1x128x49152xf32, #tpu.memory_space<hbm>>
    %dma_wait3A_1361 = tpu.memref_squeeze %dma_wait3A_1360 : memref<1x128x49152xf32, #tpu.memory_space<hbm>> -> memref<128x49152xf32, #tpu.memory_space<hbm>>
    %dma_wait3A_1362 = arith.constant 0 : i32
    %dma_wait3A_1363 = tpu.memref_slice %dma_wait3A_1361[%add3A_1201, %dma_wait3A_1362] : memref<128x49152xf32, #tpu.memory_space<hbm>> -> memref<1x49152xf32, #tpu.memory_space<hbm>>
    %dma_wait3A_1364 = arith.constant 0 : i32
    %dma_wait3A_1365 = arith.constant 0 : i32
    %dma_wait3A_1366 = tpu.memref_slice %arg3[%dma_wait3A_1354, %dma_wait3A_1364, %dma_wait3A_1365] : memref<8x128x49152xf32, #tpu.memory_space<hbm>> -> memref<1x128x49152xf32, #tpu.memory_space<hbm>>
    %dma_wait3A_1367 = tpu.memref_squeeze %dma_wait3A_1366 : memref<1x128x49152xf32, #tpu.memory_space<hbm>> -> memref<128x49152xf32, #tpu.memory_space<hbm>>
    %dma_wait3A_1368 = arith.constant 0 : i32
    %dma_wait3A_1369 = tpu.memref_slice %dma_wait3A_1367[%add3A_1201, %dma_wait3A_1368] : memref<128x49152xf32, #tpu.memory_space<hbm>> -> memref<1x49152xf32, #tpu.memory_space<hbm>>
    %dma_wait3A_1370 = arith.constant 1 : i32
    %dma_wait3A_1371 = arith.constant 0 : i32
    %dma_wait3A_1372 = tpu.memref_slice %arg4[%dma_wait3A_1370, %dma_wait3A_1371] : memref<2x49152xf32, #tpu.memory_space<vmem>> -> memref<1x49152xf32, #tpu.memory_space<vmem>>
    tpu.wait_dma2 semaphore(%arg6 : memref<!tpu.dma_semaphore, #tpu.memory_space<semaphore_mem>>) src(%dma_wait3A_1372 : memref<1x49152xf32, #tpu.memory_space<vmem>>) dst(%dma_wait3A_1369 : memref<1x49152xf32, #tpu.memory_space<hbm>>)
    return
  }
}

</mosaic_0001>

<sc_bundles>
// kernel: kernel.3.cloned.1.call-start
scs
__scs_entry_jumppad:
0x0: {  	(pc) =	sbr.rel $0x88, $3  }
0x1: {  	(tag) =	ssettag $0x0;
	lr =	simm.s32 $0x1  }
0x2: {  	[smem:$0x3FA0] =	sst lr;
	_ =	strace $0xD0000000  }
0x3: {  	_ = 	snop  }
0x4: {  	_ = 	snop  }
0x5: {  	_ = 	snop  }
0x6: {  	_ = 	snop  }
0x7: {  	_ = 	snop  }
__scs_overlays_trampoline_lowered:
0x8: {  	[smem:$0x3FAF] =	sst s0  }
0x9: {  	[smem:$0x3FB0] =	sst s1  }
0xa: {  	[smem:$0x3FB1] =	sst s2  }
0xb: {  	[smem:$0x3FB2] =	sst s3  }
0xc: {  	[smem:$0x3FB3] =	sst s4  }
0xd: {  	[smem:$0x3FB4] =	sst s5  }
0xe: {  	[smem:$0x3FB5] =	sst s6  }
0xf: {  	[smem:$0x3FB6] =	sst s7  }
0x10: {  	[smem:$0x3FB7] =	sst s8  }
0x11: {  	[smem:$0x3FB8] =	sst s9;
	s0 =	simm.s32 @!p0 $0x0  }
0x12: {  	s1 =	sld [smem:$0x3F9E];
	s0 =	simm.s32 @p0 $0x1  }
0x13: {  	[smem:$0x3FB9] =	sst s0;
	s0 =	simm.s32 @!p1 $0x0  }
0x14: {  	s2 =	sld [smem:$0x3F9D];
	s0 =	simm.s32 @p1 $0x1  }
0x15: {  	[smem:$0x3FBA] =	sst s0;
	s0 =	simm.s32 @!p2 $0x0  }
0x16: {  	s3 =	sld [smem:$0x3FDB];
	s0 =	simm.s32 @p2 $0x1  }
0x17: {  	s4 =	simm.s32 $0x1BF5;
	[smem:$0x3FBC] =	sst s0  }
0x18: {  	s0 =	sld [smem:$0x3F9F];
	_ =	swait.ge [sflag:s4], $0x0  }
0x19: {  	s7 =	sld [smem:$0x3FA0]  }
0x1a: {  	s8 =	sadd.s32 $0xFFFFE003, lr  }
0x1b: {  	s9 =	sadd.s32 $0xFFFFFEF7, lr;
	s5 =	simm.s32 $0xFFFFFFFF;
	p2 =	slt.u32 s8, $0xFFFFF086  }
0x1c: {  	p1 =	slt.u32 s9, $0xF7A;
	s5 =	simm.s32 @!p2 $0x0  }
0x1d: {  	s5 =	simm.s32 @p1 $0x1;
	p0 =	seq.s32 s7, s2  }
0x1e: {  	s7 =	smul.u32 @!p0 $0xF7A, s2;
	p2 =	seq.s32 @!p0 s5, $0x0  }
0x1f: {  	s9 =	smul.u32 $0xF7A, s1;
	s8 =	simm.s32 @!p0 $0x1BF5;
	p2 =	por !p2, p0  }
0x20: {  	[sflag:s8] =	ssyncset.s32 @!p0 $0xFFFFF086;
	s6 =	sadd.s32 @!p0 s3, s7;
	s7 =	simm.s32 @!p0 $0x108  }
0x21: {  	s3 =	sadd.s32 s3, s9;
	s6 =	sadd.s32 @!p0 $0x88, s6;
	s7 =	simm.s32 @p2 $0x1082  }
0x22: {  	[simem:s7], [sflag:s8] =	dma.local @!p0 [hbm:s6], $0xF7A  }
0x23: {  	s9 =	sor.u32 $0xD0000000, s2;
	s6 =	simm.s32 $0x108;
	_ =	swait.ge @!p0 [sflag:s8], $0x0  }
0x24: {  	s3 =	sadd.s32 $0x88, s3;
	s6 =	simm.s32 @!p1 $0x1082;
	[sflag:s4] =	ssyncset.s32 $0xFFFFF086  }
0x25: {  	[simem:s6], [sflag:s4] =	dma.local [hbm:s3], $0xF7A  }
0x26: {  	[smem:$0x3FA0] =	sst s1;
	(tag) =	ssettag s2;
	_ =	strace s9  }
0x27: {  	s1 =	sld [smem:$0x3FB0]  }
0x28: {  	s2 =	sld [smem:$0x3FB1]  }
0x29: {  	s4 =	sld [smem:$0x3FB3]  }
0x2a: {  	p0 =	seq.s32 s5, $0x0;
	s5 =	sld [smem:$0x3FB4]  }
0x2b: {  	s6 =	sld [smem:$0x3FB5]  }
0x2c: {  	s7 =	sld [smem:$0x3FB6]  }
0x2d: {  	s3 =	simm.s32 $0x108;
	s8 =	sld [smem:$0x3FB7]  }
0x2e: {  	s3 =	simm.s32 @!p0 $0x1082;
	s9 =	sld [smem:$0x3FB8]  }
0x2f: {  	lr =	sadd.s32 s0, s3;
	s0 =	sld [smem:$0x3FAF]  }
0x30: {  	s3 =	sld [smem:$0x3FB2]  }
0x31: {  	[smem:$0x3FBB] =	sst s10  }
0x32: {  	s10 =	sld [smem:$0x3FB9];
	_ =	sdelay $0x3  }
0x33: {  	p0 =	seq.s32 s10, $0x1;
	s10 =	sld [smem:$0x3FBB];
	_ =	sdelay $0x3  }
0x34: {  	[smem:$0x3FBB] =	sst s10  }
0x35: {  	s10 =	sld [smem:$0x3FBA];
	_ =	sdelay $0x3  }
0x36: {  	p1 =	seq.s32 s10, $0x1;
	s10 =	sld [smem:$0x3FBB];
	_ =	sdelay $0x3  }
0x37: {  	[smem:$0x3FBB] =	sst s10  }
0x38: {  	s10 =	sld [smem:$0x3FBC]  }
0x39: {  	_ = 	snop;
	(pc) =	sbr.ind lr, $3  }
0x3a: {  	_ = 	snop  }
0x3b: {  	_ = 	snop  }
0x3c: {  	p2 =	seq.s32 s10, $0x1;
	s10 =	sld [smem:$0x3FBB]  }
0x3d: {  	_ =	shalt  }
0x3e: {  	_ =	shalt  }
0x3f: {  	_ =	shalt  }
0x40: {  	_ =	shalt  }
0x41: {  	_ =	shalt  }
0x42: {  	_ =	shalt  }
0x43: {  	_ =	shalt  }
0x44: {  	_ =	shalt  }
0x45: {  	_ =	shalt  }
0x46: {  	_ =	shalt  }
0x47: {  	_ =	shalt  }
0x48: {  	_ =	shalt  }
0x49: {  	_ =	shalt  }
0x4a: {  	_ =	shalt  }
0x4b: {  	_ =	shalt  }
0x4c: {  	_ =	shalt  }
0x4d: {  	_ =	shalt  }
0x4e: {  	_ =	shalt  }
0x4f: {  	_ =	shalt  }
0x50: {  	_ =	shalt  }
0x51: {  	_ =	shalt  }
0x52: {  	_ =	shalt  }
0x53: {  	_ =	shalt  }
0x54: {  	_ =	shalt  }
0x55: {  	_ =	shalt  }
0x56: {  	_ =	shalt  }
0x57: {  	_ =	shalt  }
0x58: {  	_ =	shalt  }
0x59: {  	_ =	shalt  }
0x5a: {  	_ =	shalt  }
0x5b: {  	_ =	shalt  }
0x5c: {  	_ =	shalt  }
0x5d: {  	_ =	shalt  }
0x5e: {  	_ =	shalt  }
0x5f: {  	_ =	shalt  }
0x60: {  	_ =	shalt  }
0x61: {  	_ =	shalt  }
0x62: {  	_ =	shalt  }
0x63: {  	_ =	shalt  }
0x64: {  	_ =	shalt  }
0x65: {  	_ =	shalt  }
0x66: {  	_ =	shalt  }
0x67: {  	_ =	shalt  }
0x68: {  	_ =	shalt  }
0x69: {  	_ =	shalt  }
0x6a: {  	_ =	shalt  }
0x6b: {  	_ =	shalt  }
0x6c: {  	_ =	shalt  }
0x6d: {  	_ =	shalt  }
0x6e: {  	_ =	shalt  }
0x6f: {  	_ =	shalt  }
0x70: {  	_ =	shalt  }
0x71: {  	_ =	shalt  }
0x72: {  	_ =	shalt  }
0x73: {  	_ =	shalt  }
0x74: {  	_ =	shalt  }
0x75: {  	_ =	shalt  }
0x76: {  	_ =	shalt  }
0x77: {  	_ =	shalt  }
0x78: {  	_ =	shalt  }
0x79: {  	_ =	shalt  }
0x7a: {  	_ =	shalt  }
0x7b: {  	_ =	shalt  }
0x7c: {  	_ =	shalt  }
0x7d: {  	_ =	shalt  }
0x7e: {  	_ =	shalt  }
0x7f: {  	_ =	shalt  }
0x80: {  	_ =	shalt  }
0x81: {  	_ =	shalt  }
0x82: {  	_ =	shalt  }
0x83: {  	_ =	shalt  }
0x84: {  	_ =	shalt  }
0x85: {  	_ =	shalt  }
0x86: {  	_ =	shalt  }
0x87: {  	_ =	shalt  }
.Lfunc_end0:
.L_simem_size_0:
called_computation_lowered:
.L_overlay_start_0:
0x88: {  	s2 =	sld [smem:$0x3FD9]  }
0x89: {  	s3 =	sld [smem:$0x3FFE];
	_ =	sdelay $0x1  }
0x8a: {  	s1 =	srdreg.scid  }
0x8b: {  	s0 =	sand.u32 $0x1, s1  }
0x8c: {  	s18 =	sshll.u32 s0, $0xA;
	s2 =	sadd.s32 s3, s2  }
0x8d: {  	s2 =	sadd.s32 s2, s18  }
0x8e: {  	[smem:$0x3FC7] =	sst s2  }
0x8f: {  	_ = 	snop  }
0x90: {  	s2 =	sld [smem:$0x3FC9]  }
0x91: {  	s19 =	sld [smem:$0x3FD0];
	(tm) =	ssettm $0x1  }
0x92: {  	s4 =	sld [smem:$0x3FFB];
	_ =	sdelay $0x3  }
0x93: {  	_ =	strace s4  }
0x94: {  	s4 =	sld [smem:$0x3FFC];
	_ =	sdelay $0x3  }
0x95: {  	_ =	strace s4  }
0x96: {  	s4 =	sld [smem:$0x3FFD];
	_ =	sdelay $0x3  }
0x97: {  	_ =	strace s4  }
0x98: {  	_ =	strace $0x8FFFFFFF  }
0x99: {  	s20 =	sld [smem:$0x3FDB];
	_ =	sdelay $0x1  }
0x9a: {  	s5 =	simm.s32 $_scs_section_size  }
0x9b: {  	s6 =	simm.s32 $_size__tile_overlayer_lowered;
	s7 =	simm.s32 $_tile_overlayer_lowered  }
0x9c: {  	s23 =	simm.s32 $0x1BFF;
	s22 =	sshll.u32 s7, $0x1;
	s4 =	sadd.s32 s5, s20  }
0x9d: {  	s8 =	simm.s32 $0x0;
	s21 =	sshll.u32 s6, $0x1;
	s6 =	sadd.s32 s22, s4  }
0x9e: {  	[timem:s8], [sflag:s23] =	dma.local [hbm:s6], s21  }
0x9f: {  	_ =	swait.ge [sflag:s23], s21  }
0xa0: {  	s5 =	ssub.s32 $0x0, s21;
	[sflag:s23] =	ssyncset.done $0x0  }
0xa1: {  	[sflag:s23] =	ssyncadd.s32 s5;
	_ =	sdelay $0x1  }
0xa2: {  	s24 =	simm.s32 $0x1B8B  }
0xa3: {  	_ =	swait.ge [sflag:s24], $0x1  }
0xa4: {  	[sflag:s24] =	ssyncset.done $0x0  }
0xa5: {  	s25 =	simm.s32 $0x1B8E;
	[sflag:s24] =	ssyncadd.s32 $0xFFFFFFFF  }
0xa6: {  	s26 =	simm.s32 $execute0_lowered;
	[smem:$0x3FD2] =	sst s25  }
0xa7: {  	s5 =	sshll.u32 s26, $0x1;
	_ =	strace $0x80000046;
	[dreg:$0x1] =	wrdreg $0xFFFFFFFF  }
0xa8: {  	s28 =	simm.s32 $_size_execute0_lowered;
	s4 =	sadd.s32 s4, s5;
	[dreg:$0x0] =	wrdreg $0x0  }
0xa9: {  	s5 =	sshll.u32 s28, $0x1;
	[dreg:$0x2] =	wrdreg s4  }
0xaa: {  	[dreg:$0x3] =	wrdreg s5  }
0xab: {  	[dreg:$0x4] =	wrdreg $0xC0  }
0xac: {  	_ =	task [dreg:s8], $0x5FFFF  }
0xad: {  	[dreg:$0x1] =	wrdreg $0xFFFFFFFF  }
0xae: {  	[dreg:$0x0] =	wrdreg $0x60  }
0xaf: {  	[dreg:$0x2] =	wrdreg s2  }
0xb0: {  	[dreg:$0x3] =	wrdreg s19  }
0xb1: {  	[dreg:$0x4] =	wrdreg $0x9  }
0xb2: {  	_ =	task.clear_ibuf [dreg:s8], $0x5FFFF;
	_ =	strace $0x90000046  }
0xb3: {  	s29 =	simm.s32 $0x9;
	_ =	strace $0x80000048  }
0xb4: {  	_ =	swait.ge [sflag:s29], $0x1  }
0xb5: {  	[sflag:s29] =	ssyncadd.s32 $0xFFFFFFFF  }
0xb6: {  	_ =	strace $0x90000048  }
0xb7: {  	_ =	sfence  }
0xb8: {  	s30 =	sld [smem:$0x0];
	_ =	sdelay $0x2  }
0xb9: {  	s31 =	sshll.u32 s1, $0xD;
	s1 =	sshrl.u32 s1, $0x2  }
0xba: {  	s3 =	sand.u32 $0x4000, s31;
	s1 =	sadd.s32 s1, s30  }
0xbb: {  	s0 =	sor.u32 s3, s0;
	s1 =	sshll.u32 s1, $0x11  }
0xbc: {  	s0 =	sor.u32 s1, s0  }
0xbd: {  	s0 =	sadd.s32 $0x8F2B, s0  }
0xbe: {  	[sflag:s0] =	ssyncadd.remote.s32 $0x1  }
0xbf: {  	_ =	sfence.sel $0xFFFF  }
0xc0: {  	[dreg:$0x0] =	wrdreg $0xFFFFFFFF;
	(pc) =	sbr.abs _section_cstart, $3  }
0xc1: {  	[dreg:$0x1] =	wrdreg $0xFFFFFFFF  }
0xc2: {  	_ =	task.clear_ibuf [dreg:s8], $0x2FFFF;
	_ =	strace $0x9FFFFFFF  }
0xc3: {  	(tm) =	ssettm $0x7FFFFFFF  }
tec
execute0_lowered:
.L_overlay_start_1:
0x0: {  	(tag) =	ssettag $0x1  }
0x1: {  	s19 =	rddreg [dreg:$0x0];
	s1 =	srdreg.scid  }
0x2: {  	s0 =	stileid.u32;
	s21 =	rddreg [dreg:$0x1];
	s2 =	simm.s32 $0x0  }
0x3: {  	s23 =	simm.s32 $0x1;
	s24 =	simm.s32 $0x2;
	s25 =	simm.s32 $0x0  }
0x4: {  	s3 =	sand.u32 $0x1, s1;
	s4 =	smul.u32 $0x60000, s0;
	s1 =	rddreg [dreg:$0x2]  }
0x5: {  	[smem:$0x7FF] =	sst s2;
	s8 =	sadd.s32 $0xC0000, s21;
	s9 =	sadd.s32 $0x180000, s21  }
0x6: {  	s10 =	sadd.s32 $0x240000, s21;
	s11 =	sadd.s32 $0x300000, s21;
	s12 =	sadd.s32 $0x3C0000, s21  }
0x7: {  	s13 =	sadd.s32 $0x480000, s21;
	s5 =	sshll.u32 s3, $0x9;
	s6 =	ssub.s32 $0x2, s3  }
0x8: {  	s14 =	sadd.s32 $0x540000, s21;
	s30 =	sor.u32 s5, s4;
	s31 =	sshrl.u32 s6, $0x1  }
0x9: {  	_ =	strace $0x80000047;
	s3 =	sshrl.u32 s30, $0x3;
	s22 =	ssub.s32 s6, s31  }
0xa: {  	s4 =	sor.u32 $0x10, s3;
	s5 =	sadd.s32 s19, s3;
	s7 =	sadd.s32 s21, s3  }
0xb: {  	s15 =	sor.u32 $0x20, s3;
	s16 =	sor.u32 $0x30, s3;
	s22 =	smax.u32 s22, $0x1  }
0xc: {  	s6 =	sadd.s32 s19, s4;
	s17 =	sadd.s32 s19, s15;
	s18 =	sadd.s32 s21, s4  }
0xd: {  	s19 =	sadd.s32 s19, s16;
	s20 =	sadd.s32 s21, s15;
	s21 =	sadd.s32 s21, s16  }
.LBB2_1:
0xe: {  	s26 =	simm.s32 $0x80  }
0xf: {  	s30 =	sadd.s32 $0x0, s5;
	s28 =	simm.s32 $0x100;
	s29 =	simm.s32 $0x0  }
.LBB2_2:
0x10: {  	[tilespmem:s29], [sflag:$0x1] =	stream.linear.gather [hbm4b:s30+s2], $0x80, $0x38;
	[tilespmem:$0x18000] =	vst v63  }
0x11: {  	s30 =	smov.u32 s26;
	s29 =	smov.u32 s28;
	p0 =	sne.s32 s26, $0xBF80  }
.Ltmp0:
0x12: {  	s26 =	sadd.s32 $0x80, s26;
	(pc) =	sbr.rel @p0 .LBB2_2-.Ltmp0, $2  }
0x13: {  	_ =	sdelay $0x2  }
0x14: {  	s28 =	sadd.s32 $0x100, s28;
	s30 =	sadd.s32 s30, s5  }
0x15: {  	[tilespmem:s29], [sflag:$0x1] =	stream.linear.gather [hbm4b:s30+s2], $0x80, $0x38;
	[tilespmem:$0x18000] =	vst v63  }
0x16: {  	s26 =	simm.s32 $0x80  }
0x17: {  	s28 =	simm.s32 $0x80;
	s30 =	sadd.s32 $0x0, s6;
	s29 =	simm.s32 $0x180  }
.LBB2_4:
0x18: {  	[tilespmem:s26], [sflag:$0x1] =	stream.linear.gather [hbm4b:s30+s2], $0x80, $0x38;
	[tilespmem:$0x18000] =	vst v63  }
0x19: {  	s30 =	smov.u32 s28;
	s26 =	smov.u32 s29;
	p0 =	sne.s32 s28, $0xBF80  }
.Ltmp1:
0x1a: {  	s28 =	sadd.s32 $0x80, s28;
	(pc) =	sbr.rel @p0 .LBB2_4-.Ltmp1, $2  }
0x1b: {  	_ =	sdelay $0x2  }
0x1c: {  	s29 =	sadd.s32 $0x100, s29;
	s30 =	sadd.s32 s30, s6  }
0x1d: {  	[tilespmem:s26], [sflag:$0x1] =	stream.linear.gather [hbm4b:s30+s2], $0x80, $0x38;
	[tilespmem:$0x18000] =	vst v63  }
0x1e: {  	_ =	swait.ge [sflag:s23], $0xC000  }
0x1f: {  	s26 =	simm.s32 $0x0;
	s28 =	simm.s32 $0x80;
	[sflag:s23] =	ssyncset.done $0x0  }
0x20: {  	s30 =	sadd.s32 $0x0, s7;
	s29 =	simm.s32 $0x100;
	[sflag:s23] =	ssyncadd.s32 $0xFFFF4000  }
.LBB2_6:
0x21: {  	[hbm4b:s30+s2] =	stream.linear.scatter [tilespmem:s26], [sflag:$0x2], $0x80, $0x38;
	[tilespmem:$0x18000] =	vst v63  }
0x22: {  	s30 =	smov.u32 s28;
	s26 =	smov.u32 s29;
	p0 =	sne.s32 s28, $0xBF80  }
.Ltmp2:
0x23: {  	s28 =	sadd.s32 $0x80, s28;
	(pc) =	sbr.rel @p0 .LBB2_6-.Ltmp2, $2  }
0x24: {  	_ =	sdelay $0x2  }
0x25: {  	s29 =	sadd.s32 $0x100, s29;
	s30 =	sadd.s32 s30, s7  }
0x26: {  	[hbm4b:s30+s2] =	stream.linear.scatter [tilespmem:s26], [sflag:$0x2], $0x80, $0x38;
	[tilespmem:$0x18000] =	vst v63  }
0x27: {  	s26 =	sadd.s32 s3, s8;
	s28 =	simm.s32 $0x0  }
0x28: {  	s29 =	simm.s32 $0x80;
	s30 =	simm.s32 $0x100;
	s31 =	sadd.s32 $0x0, s26  }
.LBB2_8:
0x29: {  	[hbm4b:s31+s2] =	stream.linear.scatter [tilespmem:s28], [sflag:$0x2], $0x80, $0x38;
	[tilespmem:$0x18000] =	vst v63  }
0x2a: {  	s31 =	smov.u32 s29;
	s28 =	smov.u32 s30;
	p0 =	sne.s32 s29, $0xBF80  }
.Ltmp3:
0x2b: {  	s29 =	sadd.s32 $0x80, s29;
	(pc) =	sbr.rel @p0 .LBB2_8-.Ltmp3, $2  }
0x2c: {  	_ =	sdelay $0x2  }
0x2d: {  	s30 =	sadd.s32 $0x100, s30;
	s31 =	sadd.s32 s31, s26  }
0x2e: {  	[hbm4b:s31+s2] =	stream.linear.scatter [tilespmem:s28], [sflag:$0x2], $0x80, $0x38;
	[tilespmem:$0x18000] =	vst v63  }
0x2f: {  	s26 =	sadd.s32 s3, s9;
	s28 =	simm.s32 $0x0  }
0x30: {  	s29 =	simm.s32 $0x80;
	s30 =	simm.s32 $0x100;
	s31 =	sadd.s32 $0x0, s26  }
.LBB2_10:
0x31: {  	[hbm4b:s31+s2] =	stream.linear.scatter [tilespmem:s28], [sflag:$0x2], $0x80, $0x38;
	[tilespmem:$0x18000] =	vst v63  }
0x32: {  	s31 =	smov.u32 s29;
	s28 =	smov.u32 s30;
	p0 =	sne.s32 s29, $0xBF80  }
.Ltmp4:
0x33: {  	s29 =	sadd.s32 $0x80, s29;
	(pc) =	sbr.rel @p0 .LBB2_10-.Ltmp4, $2  }
0x34: {  	_ =	sdelay $0x2  }
0x35: {  	s30 =	sadd.s32 $0x100, s30;
	s31 =	sadd.s32 s31, s26  }
0x36: {  	[hbm4b:s31+s2] =	stream.linear.scatter [tilespmem:s28], [sflag:$0x2], $0x80, $0x38;
	[tilespmem:$0x18000] =	vst v63  }
0x37: {  	s26 =	sadd.s32 s3, s10;
	s28 =	simm.s32 $0x0  }
0x38: {  	s29 =	simm.s32 $0x80;
	s30 =	simm.s32 $0x100;
	s31 =	sadd.s32 $0x0, s26  }
.LBB2_12:
0x39: {  	[hbm4b:s31+s2] =	stream.linear.scatter [tilespmem:s28], [sflag:$0x2], $0x80, $0x38;
	[tilespmem:$0x18000] =	vst v63  }
0x3a: {  	s31 =	smov.u32 s29;
	s28 =	smov.u32 s30;
	p0 =	sne.s32 s29, $0xBF80  }
.Ltmp5:
0x3b: {  	s29 =	sadd.s32 $0x80, s29;
	(pc) =	sbr.rel @p0 .LBB2_12-.Ltmp5, $2  }
0x3c: {  	_ =	sdelay $0x2  }
0x3d: {  	s30 =	sadd.s32 $0x100, s30;
	s31 =	sadd.s32 s31, s26  }
0x3e: {  	[hbm4b:s31+s2] =	stream.linear.scatter [tilespmem:s28], [sflag:$0x2], $0x80, $0x38;
	[tilespmem:$0x18000] =	vst v63  }
0x3f: {  	s26 =	sadd.s32 s3, s11;
	s28 =	simm.s32 $0x0  }
0x40: {  	s29 =	simm.s32 $0x80;
	s30 =	simm.s32 $0x100;
	s31 =	sadd.s32 $0x0, s26  }
.LBB2_14:
0x41: {  	[hbm4b:s31+s2] =	stream.linear.scatter [tilespmem:s28], [sflag:$0x2], $0x80, $0x38;
	[tilespmem:$0x18000] =	vst v63  }
0x42: {  	s31 =	smov.u32 s29;
	s28 =	smov.u32 s30;
	p0 =	sne.s32 s29, $0xBF80  }
.Ltmp6:
0x43: {  	s29 =	sadd.s32 $0x80, s29;
	(pc) =	sbr.rel @p0 .LBB2_14-.Ltmp6, $2  }
0x44: {  	_ =	sdelay $0x2  }
0x45: {  	s30 =	sadd.s32 $0x100, s30;
	s31 =	sadd.s32 s31, s26  }
0x46: {  	[hbm4b:s31+s2] =	stream.linear.scatter [tilespmem:s28], [sflag:$0x2], $0x80, $0x38;
	[tilespmem:$0x18000] =	vst v63  }
0x47: {  	s26 =	sadd.s32 s3, s12;
	s28 =	simm.s32 $0x0  }
0x48: {  	s29 =	simm.s32 $0x80;
	s30 =	simm.s32 $0x100;
	s31 =	sadd.s32 $0x0, s26  }
.LBB2_16:
0x49: {  	[hbm4b:s31+s2] =	stream.linear.scatter [tilespmem:s28], [sflag:$0x2], $0x80, $0x38;
	[tilespmem:$0x18000] =	vst v63  }
0x4a: {  	s31 =	smov.u32 s29;
	s28 =	smov.u32 s30;
	p0 =	sne.s32 s29, $0xBF80  }
.Ltmp7:
0x4b: {  	s29 =	sadd.s32 $0x80, s29;
	(pc) =	sbr.rel @p0 .LBB2_16-.Ltmp7, $2  }
0x4c: {  	_ =	sdelay $0x2  }
0x4d: {  	s30 =	sadd.s32 $0x100, s30;
	s31 =	sadd.s32 s31, s26  }
0x4e: {  	[hbm4b:s31+s2] =	stream.linear.scatter [tilespmem:s28], [sflag:$0x2], $0x80, $0x38;
	[tilespmem:$0x18000] =	vst v63  }
0x4f: {  	s26 =	sadd.s32 s3, s13;
	s28 =	simm.s32 $0x0  }
0x50: {  	s29 =	simm.s32 $0x80;
	s30 =	simm.s32 $0x100;
	s31 =	sadd.s32 $0x0, s26  }
.LBB2_18:
0x51: {  	[hbm4b:s31+s2] =	stream.linear.scatter [tilespmem:s28], [sflag:$0x2], $0x80, $0x38;
	[tilespmem:$0x18000] =	vst v63  }
0x52: {  	s31 =	smov.u32 s29;
	s28 =	smov.u32 s30;
	p0 =	sne.s32 s29, $0xBF80  }
.Ltmp8:
0x53: {  	s29 =	sadd.s32 $0x80, s29;
	(pc) =	sbr.rel @p0 .LBB2_18-.Ltmp8, $2  }
0x54: {  	_ =	sdelay $0x2  }
0x55: {  	s30 =	sadd.s32 $0x100, s30;
	s31 =	sadd.s32 s31, s26  }
0x56: {  	[hbm4b:s31+s2] =	stream.linear.scatter [tilespmem:s28], [sflag:$0x2], $0x80, $0x38;
	[tilespmem:$0x18000] =	vst v63  }
0x57: {  	s26 =	sadd.s32 s3, s14;
	s28 =	simm.s32 $0x0  }
0x58: {  	s29 =	simm.s32 $0x80;
	s30 =	simm.s32 $0x100;
	s31 =	sadd.s32 $0x0, s26  }
.LBB2_20:
0x59: {  	[hbm4b:s31+s2] =	stream.linear.scatter [tilespmem:s28], [sflag:$0x2], $0x80, $0x38;
	[tilespmem:$0x18000] =	vst v63  }
0x5a: {  	s31 =	smov.u32 s29;
	s28 =	smov.u32 s30;
	p0 =	sne.s32 s29, $0xBF80  }
.Ltmp9:
0x5b: {  	s29 =	sadd.s32 $0x80, s29;
	(pc) =	sbr.rel @p0 .LBB2_20-.Ltmp9, $2  }
0x5c: {  	_ =	sdelay $0x2  }
0x5d: {  	s30 =	sadd.s32 $0x100, s30;
	s31 =	sadd.s32 s31, s26  }
0x5e: {  	[hbm4b:s31+s2] =	stream.linear.scatter [tilespmem:s28], [sflag:$0x2], $0x80, $0x38;
	[tilespmem:$0x18000] =	vst v63  }
0x5f: {  	_ =	swait.ge [sflag:s24], $0xC000  }
0x60: {  	[sflag:s24] =	ssyncset.done $0x0  }
0x61: {  	[sflag:s24] =	ssyncadd.s32 $0xFFFF4000  }
0x62: {  	_ =	swait.ge [sflag:s24], $0xC000  }
0x63: {  	[sflag:s24] =	ssyncset.done $0x0  }
0x64: {  	[sflag:s24] =	ssyncadd.s32 $0xFFFF4000  }
0x65: {  	_ =	swait.ge [sflag:s24], $0xC000  }
0x66: {  	[sflag:s24] =	ssyncset.done $0x0  }
0x67: {  	[sflag:s24] =	ssyncadd.s32 $0xFFFF4000  }
0x68: {  	_ =	swait.ge [sflag:s24], $0xC000  }
0x69: {  	[sflag:s24] =	ssyncset.done $0x0  }
0x6a: {  	[sflag:s24] =	ssyncadd.s32 $0xFFFF4000  }
0x6b: {  	_ =	swait.ge [sflag:s24], $0xC000  }
0x6c: {  	[sflag:s24] =	ssyncset.done $0x0  }
0x6d: {  	[sflag:s24] =	ssyncadd.s32 $0xFFFF4000  }
0x6e: {  	_ =	swait.ge [sflag:s24], $0xC000  }
0x6f: {  	[sflag:s24] =	ssyncset.done $0x0  }
0x70: {  	[sflag:s24] =	ssyncadd.s32 $0xFFFF4000  }
0x71: {  	_ =	swait.ge [sflag:s24], $0xC000  }
0x72: {  	[sflag:s24] =	ssyncset.done $0x0  }
0x73: {  	[sflag:s24] =	ssyncadd.s32 $0xFFFF4000  }
0x74: {  	_ =	swait.ge [sflag:s24], $0xC000  }
0x75: {  	s26 =	simm.s32 $0x0;
	s28 =	simm.s32 $0x80;
	[sflag:s24] =	ssyncset.done $0x0  }
0x76: {  	s30 =	sadd.s32 $0x0, s17;
	s29 =	simm.s32 $0x100;
	[sflag:s24] =	ssyncadd.s32 $0xFFFF4000  }
.LBB2_22:
0x77: {  	[tilespmem:s26], [sflag:$0x1] =	stream.linear.gather [hbm4b:s30+s2], $0x80, $0x38;
	[tilespmem:$0x18000] =	vst v63  }
0x78: {  	s30 =	smov.u32 s28;
	s26 =	smov.u32 s29;
	p0 =	sne.s32 s28, $0xBF80  }
.Ltmp10:
0x79: {  	s28 =	sadd.s32 $0x80, s28;
	(pc) =	sbr.rel @p0 .LBB2_22-.Ltmp10, $2  }
0x7a: {  	_ =	sdelay $0x2  }
0x7b: {  	s29 =	sadd.s32 $0x100, s29;
	s30 =	sadd.s32 s30, s17  }
0x7c: {  	[tilespmem:s26], [sflag:$0x1] =	stream.linear.gather [hbm4b:s30+s2], $0x80, $0x38;
	[tilespmem:$0x18000] =	vst v63  }
0x7d: {  	_ =	swait.ge [sflag:s23], $0xC000  }
0x7e: {  	s26 =	simm.s32 $0x80;
	s28 =	simm.s32 $0x80;
	[sflag:s23] =	ssyncset.done $0x0  }
0x7f: {  	s30 =	sadd.s32 $0x0, s18;
	s29 =	simm.s32 $0x180;
	[sflag:s23] =	ssyncadd.s32 $0xFFFF4000  }
.LBB2_24:
0x80: {  	[hbm4b:s30+s2] =	stream.linear.scatter [tilespmem:s26], [sflag:$0x2], $0x80, $0x38;
	[tilespmem:$0x18000] =	vst v63  }
0x81: {  	s30 =	smov.u32 s28;
	s26 =	smov.u32 s29;
	p0 =	sne.s32 s28, $0xBF80  }
.Ltmp11:
0x82: {  	s28 =	sadd.s32 $0x80, s28;
	(pc) =	sbr.rel @p0 .LBB2_24-.Ltmp11, $2  }
0x83: {  	_ =	sdelay $0x2  }
0x84: {  	s29 =	sadd.s32 $0x100, s29;
	s30 =	sadd.s32 s30, s18  }
0x85: {  	[hbm4b:s30+s2] =	stream.linear.scatter [tilespmem:s26], [sflag:$0x2], $0x80, $0x38;
	[tilespmem:$0x18000] =	vst v63  }
0x86: {  	s26 =	sadd.s32 s4, s8;
	s28 =	simm.s32 $0x80  }
0x87: {  	s29 =	simm.s32 $0x80;
	s30 =	simm.s32 $0x180;
	s31 =	sadd.s32 $0x0, s26  }
.LBB2_26:
0x88: {  	[hbm4b:s31+s2] =	stream.linear.scatter [tilespmem:s28], [sflag:$0x2], $0x80, $0x38;
	[tilespmem:$0x18000] =	vst v63  }
0x89: {  	s31 =	smov.u32 s29;
	s28 =	smov.u32 s30;
	p0 =	sne.s32 s29, $0xBF80  }
.Ltmp12:
0x8a: {  	s29 =	sadd.s32 $0x80, s29;
	(pc) =	sbr.rel @p0 .LBB2_26-.Ltmp12, $2  }
0x8b: {  	_ =	sdelay $0x2  }
0x8c: {  	s30 =	sadd.s32 $0x100, s30;
	s31 =	sadd.s32 s31, s26  }
0x8d: {  	[hbm4b:s31+s2] =	stream.linear.scatter [tilespmem:s28], [sflag:$0x2], $0x80, $0x38;
	[tilespmem:$0x18000] =	vst v63  }
0x8e: {  	s26 =	sadd.s32 s4, s9;
	s28 =	simm.s32 $0x80  }
0x8f: {  	s29 =	simm.s32 $0x80;
	s30 =	simm.s32 $0x180;
	s31 =	sadd.s32 $0x0, s26  }
.LBB2_28:
0x90: {  	[hbm4b:s31+s2] =	stream.linear.scatter [tilespmem:s28], [sflag:$0x2], $0x80, $0x38;
	[tilespmem:$0x18000] =	vst v63  }
0x91: {  	s31 =	smov.u32 s29;
	s28 =	smov.u32 s30;
	p0 =	sne.s32 s29, $0xBF80  }
.Ltmp13:
0x92: {  	s29 =	sadd.s32 $0x80, s29;
	(pc) =	sbr.rel @p0 .LBB2_28-.Ltmp13, $2  }
0x93: {  	_ =	sdelay $0x2  }
0x94: {  	s30 =	sadd.s32 $0x100, s30;
	s31 =	sadd.s32 s31, s26  }
0x95: {  	[hbm4b:s31+s2] =	stream.linear.scatter [tilespmem:s28], [sflag:$0x2], $0x80, $0x38;
	[tilespmem:$0x18000] =	vst v63  }
0x96: {  	s26 =	sadd.s32 s4, s10;
	s28 =	simm.s32 $0x80  }
0x97: {  	s29 =	simm.s32 $0x80;
	s30 =	simm.s32 $0x180;
	s31 =	sadd.s32 $0x0, s26  }
.LBB2_30:
0x98: {  	[hbm4b:s31+s2] =	stream.linear.scatter [tilespmem:s28], [sflag:$0x2], $0x80, $0x38;
	[tilespmem:$0x18000] =	vst v63  }
0x99: {  	s31 =	smov.u32 s29;
	s28 =	smov.u32 s30;
	p0 =	sne.s32 s29, $0xBF80  }
.Ltmp14:
0x9a: {  	s29 =	sadd.s32 $0x80, s29;
	(pc) =	sbr.rel @p0 .LBB2_30-.Ltmp14, $2  }
0x9b: {  	_ =	sdelay $0x2  }
0x9c: {  	s30 =	sadd.s32 $0x100, s30;
	s31 =	sadd.s32 s31, s26  }
0x9d: {  	[hbm4b:s31+s2] =	stream.linear.scatter [tilespmem:s28], [sflag:$0x2], $0x80, $0x38;
	[tilespmem:$0x18000] =	vst v63  }
0x9e: {  	s26 =	sadd.s32 s4, s11;
	s28 =	simm.s32 $0x80  }
0x9f: {  	s29 =	simm.s32 $0x80;
	s30 =	simm.s32 $0x180;
	s31 =	sadd.s32 $0x0, s26  }
.LBB2_32:
0xa0: {  	[hbm4b:s31+s2] =	stream.linear.scatter [tilespmem:s28], [sflag:$0x2], $0x80, $0x38;
	[tilespmem:$0x18000] =	vst v63  }
0xa1: {  	s31 =	smov.u32 s29;
	s28 =	smov.u32 s30;
	p0 =	sne.s32 s29, $0xBF80  }
.Ltmp15:
0xa2: {  	s29 =	sadd.s32 $0x80, s29;
	(pc) =	sbr.rel @p0 .LBB2_32-.Ltmp15, $2  }
0xa3: {  	_ =	sdelay $0x2  }
0xa4: {  	s30 =	sadd.s32 $0x100, s30;
	s31 =	sadd.s32 s31, s26  }
0xa5: {  	[hbm4b:s31+s2] =	stream.linear.scatter [tilespmem:s28], [sflag:$0x2], $0x80, $0x38;
	[tilespmem:$0x18000] =	vst v63  }
0xa6: {  	s26 =	sadd.s32 s4, s12;
	s28 =	simm.s32 $0x80  }
0xa7: {  	s29 =	simm.s32 $0x80;
	s30 =	simm.s32 $0x180;
	s31 =	sadd.s32 $0x0, s26  }
.LBB2_34:
0xa8: {  	[hbm4b:s31+s2] =	stream.linear.scatter [tilespmem:s28], [sflag:$0x2], $0x80, $0x38;
	[tilespmem:$0x18000] =	vst v63  }
0xa9: {  	s31 =	smov.u32 s29;
	s28 =	smov.u32 s30;
	p0 =	sne.s32 s29, $0xBF80  }
.Ltmp16:
0xaa: {  	s29 =	sadd.s32 $0x80, s29;
	(pc) =	sbr.rel @p0 .LBB2_34-.Ltmp16, $2  }
0xab: {  	_ =	sdelay $0x2  }
0xac: {  	s30 =	sadd.s32 $0x100, s30;
	s31 =	sadd.s32 s31, s26  }
0xad: {  	[hbm4b:s31+s2] =	stream.linear.scatter [tilespmem:s28], [sflag:$0x2], $0x80, $0x38;
	[tilespmem:$0x18000] =	vst v63  }
0xae: {  	s26 =	sadd.s32 s4, s13;
	s28 =	simm.s32 $0x80  }
0xaf: {  	s29 =	simm.s32 $0x80;
	s30 =	simm.s32 $0x180;
	s31 =	sadd.s32 $0x0, s26  }
.LBB2_36:
0xb0: {  	[hbm4b:s31+s2] =	stream.linear.scatter [tilespmem:s28], [sflag:$0x2], $0x80, $0x38;
	[tilespmem:$0x18000] =	vst v63  }
0xb1: {  	s31 =	smov.u32 s29;
	s28 =	smov.u32 s30;
	p0 =	sne.s32 s29, $0xBF80  }
.Ltmp17:
0xb2: {  	s29 =	sadd.s32 $0x80, s29;
	(pc) =	sbr.rel @p0 .LBB2_36-.Ltmp17, $2  }
0xb3: {  	_ =	sdelay $0x2  }
0xb4: {  	s30 =	sadd.s32 $0x100, s30;
	s31 =	sadd.s32 s31, s26  }
0xb5: {  	[hbm4b:s31+s2] =	stream.linear.scatter [tilespmem:s28], [sflag:$0x2], $0x80, $0x38;
	[tilespmem:$0x18000] =	vst v63  }
0xb6: {  	s26 =	sadd.s32 s4, s14;
	s28 =	simm.s32 $0x80  }
0xb7: {  	s29 =	simm.s32 $0x80;
	s30 =	simm.s32 $0x180;
	s31 =	sadd.s32 $0x0, s26  }
.LBB2_38:
0xb8: {  	[hbm4b:s31+s2] =	stream.linear.scatter [tilespmem:s28], [sflag:$0x2], $0x80, $0x38;
	[tilespmem:$0x18000] =	vst v63  }
0xb9: {  	s31 =	smov.u32 s29;
	s28 =	smov.u32 s30;
	p0 =	sne.s32 s29, $0xBF80  }
.Ltmp18:
0xba: {  	s29 =	sadd.s32 $0x80, s29;
	(pc) =	sbr.rel @p0 .LBB2_38-.Ltmp18, $2  }
0xbb: {  	_ =	sdelay $0x2  }
0xbc: {  	s30 =	sadd.s32 $0x100, s30;
	s31 =	sadd.s32 s31, s26  }
0xbd: {  	[hbm4b:s31+s2] =	stream.linear.scatter [tilespmem:s28], [sflag:$0x2], $0x80, $0x38;
	[tilespmem:$0x18000] =	vst v63  }
0xbe: {  	_ =	swait.ge [sflag:s24], $0xC000  }
0xbf: {  	[sflag:s24] =	ssyncset.done $0x0  }
0xc0: {  	[sflag:s24] =	ssyncadd.s32 $0xFFFF4000  }
0xc1: {  	_ =	swait.ge [sflag:s24], $0xC000  }
0xc2: {  	[sflag:s24] =	ssyncset.done $0x0  }
0xc3: {  	[sflag:s24] =	ssyncadd.s32 $0xFFFF4000  }
0xc4: {  	_ =	swait.ge [sflag:s24], $0xC000  }
0xc5: {  	[sflag:s24] =	ssyncset.done $0x0  }
0xc6: {  	[sflag:s24] =	ssyncadd.s32 $0xFFFF4000  }
0xc7: {  	_ =	swait.ge [sflag:s24], $0xC000  }
0xc8: {  	[sflag:s24] =	ssyncset.done $0x0  }
0xc9: {  	[sflag:s24] =	ssyncadd.s32 $0xFFFF4000  }
0xca: {  	_ =	swait.ge [sflag:s24], $0xC000  }
0xcb: {  	[sflag:s24] =	ssyncset.done $0x0  }
0xcc: {  	[sflag:s24] =	ssyncadd.s32 $0xFFFF4000  }
0xcd: {  	_ =	swait.ge [sflag:s24], $0xC000  }
0xce: {  	[sflag:s24] =	ssyncset.done $0x0  }
0xcf: {  	[sflag:s24] =	ssyncadd.s32 $0xFFFF4000  }
0xd0: {  	_ =	swait.ge [sflag:s24], $0xC000  }
0xd1: {  	[sflag:s24] =	ssyncset.done $0x0  }
0xd2: {  	[sflag:s24] =	ssyncadd.s32 $0xFFFF4000  }
0xd3: {  	_ =	swait.ge [sflag:s24], $0xC000  }
0xd4: {  	s26 =	simm.s32 $0x80;
	s28 =	simm.s32 $0x80;
	[sflag:s24] =	ssyncset.done $0x0  }
0xd5: {  	s30 =	sadd.s32 $0x0, s19;
	s29 =	simm.s32 $0x180;
	[sflag:s24] =	ssyncadd.s32 $0xFFFF4000  }
.LBB2_40:
0xd6: {  	[tilespmem:s26], [sflag:$0x1] =	stream.linear.gather [hbm4b:s30+s2], $0x80, $0x38;
	[tilespmem:$0x18000] =	vst v63  }
0xd7: {  	s30 =	smov.u32 s28;
	s26 =	smov.u32 s29;
	p0 =	sne.s32 s28, $0xBF80  }
.Ltmp19:
0xd8: {  	s28 =	sadd.s32 $0x80, s28;
	(pc) =	sbr.rel @p0 .LBB2_40-.Ltmp19, $2  }
0xd9: {  	_ =	sdelay $0x2  }
0xda: {  	s29 =	sadd.s32 $0x100, s29;
	s30 =	sadd.s32 s30, s19  }
0xdb: {  	[tilespmem:s26], [sflag:$0x1] =	stream.linear.gather [hbm4b:s30+s2], $0x80, $0x38;
	[tilespmem:$0x18000] =	vst v63  }
0xdc: {  	_ =	swait.ge [sflag:s23], $0xC000  }
0xdd: {  	s26 =	simm.s32 $0x0;
	s28 =	simm.s32 $0x80;
	[sflag:s23] =	ssyncset.done $0x0  }
0xde: {  	s30 =	sadd.s32 $0x0, s20;
	s29 =	simm.s32 $0x100;
	[sflag:s23] =	ssyncadd.s32 $0xFFFF4000  }
.LBB2_42:
0xdf: {  	[hbm4b:s30+s2] =	stream.linear.scatter [tilespmem:s26], [sflag:$0x2], $0x80, $0x38;
	[tilespmem:$0x18000] =	vst v63  }
0xe0: {  	s30 =	smov.u32 s28;
	s26 =	smov.u32 s29;
	p0 =	sne.s32 s28, $0xBF80  }
.Ltmp20:
0xe1: {  	s28 =	sadd.s32 $0x80, s28;
	(pc) =	sbr.rel @p0 .LBB2_42-.Ltmp20, $2  }
0xe2: {  	_ =	sdelay $0x2  }
0xe3: {  	s29 =	sadd.s32 $0x100, s29;
	s30 =	sadd.s32 s30, s20  }
0xe4: {  	[hbm4b:s30+s2] =	stream.linear.scatter [tilespmem:s26], [sflag:$0x2], $0x80, $0x38;
	[tilespmem:$0x18000] =	vst v63  }
0xe5: {  	s26 =	sadd.s32 s15, s8;
	s28 =	simm.s32 $0x0  }
0xe6: {  	s29 =	simm.s32 $0x80;
	s30 =	simm.s32 $0x100;
	s31 =	sadd.s32 $0x0, s26  }
.LBB2_44:
0xe7: {  	[hbm4b:s31+s2] =	stream.linear.scatter [tilespmem:s28], [sflag:$0x2], $0x80, $0x38;
	[tilespmem:$0x18000] =	vst v63  }
0xe8: {  	s31 =	smov.u32 s29;
	s28 =	smov.u32 s30;
	p0 =	sne.s32 s29, $0xBF80  }
.Ltmp21:
0xe9: {  	s29 =	sadd.s32 $0x80, s29;
	(pc) =	sbr.rel @p0 .LBB2_44-.Ltmp21, $2  }
0xea: {  	_ =	sdelay $0x2  }
0xeb: {  	s30 =	sadd.s32 $0x100, s30;
	s31 =	sadd.s32 s31, s26  }
0xec: {  	[hbm4b:s31+s2] =	stream.linear.scatter [tilespmem:s28], [sflag:$0x2], $0x80, $0x38;
	[tilespmem:$0x18000] =	vst v63  }
0xed: {  	s26 =	sadd.s32 s15, s9;
	s28 =	simm.s32 $0x0  }
0xee: {  	s29 =	simm.s32 $0x80;
	s30 =	simm.s32 $0x100;
	s31 =	sadd.s32 $0x0, s26  }
.LBB2_46:
0xef: {  	[hbm4b:s31+s2] =	stream.linear.scatter [tilespmem:s28], [sflag:$0x2], $0x80, $0x38;
	[tilespmem:$0x18000] =	vst v63  }
0xf0: {  	s31 =	smov.u32 s29;
	s28 =	smov.u32 s30;
	p0 =	sne.s32 s29, $0xBF80  }
.Ltmp22:
0xf1: {  	s29 =	sadd.s32 $0x80, s29;
	(pc) =	sbr.rel @p0 .LBB2_46-.Ltmp22, $2  }
0xf2: {  	_ =	sdelay $0x2  }
0xf3: {  	s30 =	sadd.s32 $0x100, s30;
	s31 =	sadd.s32 s31, s26  }
0xf4: {  	[hbm4b:s31+s2] =	stream.linear.scatter [tilespmem:s28], [sflag:$0x2], $0x80, $0x38;
	[tilespmem:$0x18000] =	vst v63  }
0xf5: {  	s26 =	sadd.s32 s15, s10;
	s28 =	simm.s32 $0x0  }
0xf6: {  	s29 =	simm.s32 $0x80;
	s30 =	simm.s32 $0x100;
	s31 =	sadd.s32 $0x0, s26  }
.LBB2_48:
0xf7: {  	[hbm4b:s31+s2] =	stream.linear.scatter [tilespmem:s28], [sflag:$0x2], $0x80, $0x38;
	[tilespmem:$0x18000] =	vst v63  }
0xf8: {  	s31 =	smov.u32 s29;
	s28 =	smov.u32 s30;
	p0 =	sne.s32 s29, $0xBF80  }
.Ltmp23:
0xf9: {  	s29 =	sadd.s32 $0x80, s29;
	(pc) =	sbr.rel @p0 .LBB2_48-.Ltmp23, $2  }
0xfa: {  	_ =	sdelay $0x2  }
0xfb: {  	s30 =	sadd.s32 $0x100, s30;
	s31 =	sadd.s32 s31, s26  }
0xfc: {  	[hbm4b:s31+s2] =	stream.linear.scatter [tilespmem:s28], [sflag:$0x2], $0x80, $0x38;
	[tilespmem:$0x18000] =	vst v63  }
0xfd: {  	s26 =	sadd.s32 s15, s11;
	s28 =	simm.s32 $0x0  }
0xfe: {  	s29 =	simm.s32 $0x80;
	s30 =	simm.s32 $0x100;
	s31 =	sadd.s32 $0x0, s26  }
.LBB2_50:
0xff: {  	[hbm4b:s31+s2] =	stream.linear.scatter [tilespmem:s28], [sflag:$0x2], $0x80, $0x38;
	[tilespmem:$0x18000] =	vst v63  }
0x100: {  	s31 =	smov.u32 s29;
	s28 =	smov.u32 s30;
	p0 =	sne.s32 s29, $0xBF80  }
.Ltmp24:
0x101: {  	s29 =	sadd.s32 $0x80, s29;
	(pc) =	sbr.rel @p0 .LBB2_50-.Ltmp24, $2  }
0x102: {  	_ =	sdelay $0x2  }
0x103: {  	s30 =	sadd.s32 $0x100, s30;
	s31 =	sadd.s32 s31, s26  }
0x104: {  	[hbm4b:s31+s2] =	stream.linear.scatter [tilespmem:s28], [sflag:$0x2], $0x80, $0x38;
	[tilespmem:$0x18000] =	vst v63  }
0x105: {  	s26 =	sadd.s32 s15, s12;
	s28 =	simm.s32 $0x0  }
0x106: {  	s29 =	simm.s32 $0x80;
	s30 =	simm.s32 $0x100;
	s31 =	sadd.s32 $0x0, s26  }
.LBB2_52:
0x107: {  	[hbm4b:s31+s2] =	stream.linear.scatter [tilespmem:s28], [sflag:$0x2], $0x80, $0x38;
	[tilespmem:$0x18000] =	vst v63  }
0x108: {  	s31 =	smov.u32 s29;
	s28 =	smov.u32 s30;
	p0 =	sne.s32 s29, $0xBF80  }
.Ltmp25:
0x109: {  	s29 =	sadd.s32 $0x80, s29;
	(pc) =	sbr.rel @p0 .LBB2_52-.Ltmp25, $2  }
0x10a: {  	_ =	sdelay $0x2  }
0x10b: {  	s30 =	sadd.s32 $0x100, s30;
	s31 =	sadd.s32 s31, s26  }
0x10c: {  	[hbm4b:s31+s2] =	stream.linear.scatter [tilespmem:s28], [sflag:$0x2], $0x80, $0x38;
	[tilespmem:$0x18000] =	vst v63  }
0x10d: {  	s26 =	sadd.s32 s15, s13;
	s28 =	simm.s32 $0x0  }
0x10e: {  	s29 =	simm.s32 $0x80;
	s30 =	simm.s32 $0x100;
	s31 =	sadd.s32 $0x0, s26  }
.LBB2_54:
0x10f: {  	[hbm4b:s31+s2] =	stream.linear.scatter [tilespmem:s28], [sflag:$0x2], $0x80, $0x38;
	[tilespmem:$0x18000] =	vst v63  }
0x110: {  	s31 =	smov.u32 s29;
	s28 =	smov.u32 s30;
	p0 =	sne.s32 s29, $0xBF80  }
.Ltmp26:
0x111: {  	s29 =	sadd.s32 $0x80, s29;
	(pc) =	sbr.rel @p0 .LBB2_54-.Ltmp26, $2  }
0x112: {  	_ =	sdelay $0x2  }
0x113: {  	s30 =	sadd.s32 $0x100, s30;
	s31 =	sadd.s32 s31, s26  }
0x114: {  	[hbm4b:s31+s2] =	stream.linear.scatter [tilespmem:s28], [sflag:$0x2], $0x80, $0x38;
	[tilespmem:$0x18000] =	vst v63  }
0x115: {  	s26 =	sadd.s32 s15, s14;
	s28 =	simm.s32 $0x0  }
0x116: {  	s29 =	simm.s32 $0x80;
	s30 =	simm.s32 $0x100;
	s31 =	sadd.s32 $0x0, s26  }
.LBB2_56:
0x117: {  	[hbm4b:s31+s2] =	stream.linear.scatter [tilespmem:s28], [sflag:$0x2], $0x80, $0x38;
	[tilespmem:$0x18000] =	vst v63  }
0x118: {  	s31 =	smov.u32 s29;
	s28 =	smov.u32 s30;
	p0 =	sne.s32 s29, $0xBF80  }
.Ltmp27:
0x119: {  	s29 =	sadd.s32 $0x80, s29;
	(pc) =	sbr.rel @p0 .LBB2_56-.Ltmp27, $2  }
0x11a: {  	_ =	sdelay $0x2  }
0x11b: {  	s30 =	sadd.s32 $0x100, s30;
	s31 =	sadd.s32 s31, s26  }
0x11c: {  	[hbm4b:s31+s2] =	stream.linear.scatter [tilespmem:s28], [sflag:$0x2], $0x80, $0x38;
	[tilespmem:$0x18000] =	vst v63  }
0x11d: {  	_ =	swait.ge [sflag:s24], $0xC000  }
0x11e: {  	[sflag:s24] =	ssyncset.done $0x0  }
0x11f: {  	[sflag:s24] =	ssyncadd.s32 $0xFFFF4000  }
0x120: {  	_ =	swait.ge [sflag:s24], $0xC000  }
0x121: {  	[sflag:s24] =	ssyncset.done $0x0  }
0x122: {  	[sflag:s24] =	ssyncadd.s32 $0xFFFF4000  }
0x123: {  	_ =	swait.ge [sflag:s24], $0xC000  }
0x124: {  	[sflag:s24] =	ssyncset.done $0x0  }
0x125: {  	[sflag:s24] =	ssyncadd.s32 $0xFFFF4000  }
0x126: {  	_ =	swait.ge [sflag:s24], $0xC000  }
0x127: {  	[sflag:s24] =	ssyncset.done $0x0  }
0x128: {  	[sflag:s24] =	ssyncadd.s32 $0xFFFF4000  }
0x129: {  	_ =	swait.ge [sflag:s24], $0xC000  }
0x12a: {  	[sflag:s24] =	ssyncset.done $0x0  }
0x12b: {  	[sflag:s24] =	ssyncadd.s32 $0xFFFF4000  }
0x12c: {  	_ =	swait.ge [sflag:s24], $0xC000  }
0x12d: {  	[sflag:s24] =	ssyncset.done $0x0  }
0x12e: {  	[sflag:s24] =	ssyncadd.s32 $0xFFFF4000  }
0x12f: {  	_ =	swait.ge [sflag:s24], $0xC000  }
0x130: {  	[sflag:s24] =	ssyncset.done $0x0  }
0x131: {  	[sflag:s24] =	ssyncadd.s32 $0xFFFF4000  }
0x132: {  	_ =	swait.ge [sflag:s24], $0xC000  }
0x133: {  	[sflag:s24] =	ssyncset.done $0x0  }
0x134: {  	[sflag:s24] =	ssyncadd.s32 $0xFFFF4000  }
0x135: {  	_ =	swait.ge [sflag:s23], $0xC000  }
0x136: {  	s26 =	simm.s32 $0x80;
	s28 =	simm.s32 $0x80;
	[sflag:s23] =	ssyncset.done $0x0  }
0x137: {  	s30 =	sadd.s32 $0x0, s21;
	s29 =	simm.s32 $0x180;
	[sflag:s23] =	ssyncadd.s32 $0xFFFF4000  }
.LBB2_58:
0x138: {  	[hbm4b:s30+s2] =	stream.linear.scatter [tilespmem:s26], [sflag:$0x2], $0x80, $0x38;
	[tilespmem:$0x18000] =	vst v63  }
0x139: {  	s30 =	smov.u32 s28;
	s26 =	smov.u32 s29;
	p0 =	sne.s32 s28, $0xBF80  }
.Ltmp28:
0x13a: {  	s28 =	sadd.s32 $0x80, s28;
	(pc) =	sbr.rel @p0 .LBB2_58-.Ltmp28, $2  }
0x13b: {  	_ =	sdelay $0x2  }
0x13c: {  	s29 =	sadd.s32 $0x100, s29;
	s30 =	sadd.s32 s30, s21  }
0x13d: {  	[hbm4b:s30+s2] =	stream.linear.scatter [tilespmem:s26], [sflag:$0x2], $0x80, $0x38;
	[tilespmem:$0x18000] =	vst v63  }
0x13e: {  	s26 =	sadd.s32 s16, s8;
	s28 =	simm.s32 $0x80  }
0x13f: {  	s29 =	simm.s32 $0x80;
	s30 =	simm.s32 $0x180;
	s31 =	sadd.s32 $0x0, s26  }
.LBB2_60:
0x140: {  	[hbm4b:s31+s2] =	stream.linear.scatter [tilespmem:s28], [sflag:$0x2], $0x80, $0x38;
	[tilespmem:$0x18000] =	vst v63  }
0x141: {  	s31 =	smov.u32 s29;
	s28 =	smov.u32 s30;
	p0 =	sne.s32 s29, $0xBF80  }
.Ltmp29:
0x142: {  	s29 =	sadd.s32 $0x80, s29;
	(pc) =	sbr.rel @p0 .LBB2_60-.Ltmp29, $2  }
0x143: {  	_ =	sdelay $0x2  }
0x144: {  	s30 =	sadd.s32 $0x100, s30;
	s31 =	sadd.s32 s31, s26  }
0x145: {  	[hbm4b:s31+s2] =	stream.linear.scatter [tilespmem:s28], [sflag:$0x2], $0x80, $0x38;
	[tilespmem:$0x18000] =	vst v63  }
0x146: {  	s26 =	sadd.s32 s16, s9;
	s28 =	simm.s32 $0x80  }
0x147: {  	s29 =	simm.s32 $0x80;
	s30 =	simm.s32 $0x180;
	s31 =	sadd.s32 $0x0, s26  }
.LBB2_62:
0x148: {  	[hbm4b:s31+s2] =	stream.linear.scatter [tilespmem:s28], [sflag:$0x2], $0x80, $0x38;
	[tilespmem:$0x18000] =	vst v63  }
0x149: {  	s31 =	smov.u32 s29;
	s28 =	smov.u32 s30;
	p0 =	sne.s32 s29, $0xBF80  }
.Ltmp30:
0x14a: {  	s29 =	sadd.s32 $0x80, s29;
	(pc) =	sbr.rel @p0 .LBB2_62-.Ltmp30, $2  }
0x14b: {  	_ =	sdelay $0x2  }
0x14c: {  	s30 =	sadd.s32 $0x100, s30;
	s31 =	sadd.s32 s31, s26  }
0x14d: {  	[hbm4b:s31+s2] =	stream.linear.scatter [tilespmem:s28], [sflag:$0x2], $0x80, $0x38;
	[tilespmem:$0x18000] =	vst v63  }
0x14e: {  	s26 =	sadd.s32 s16, s10;
	s28 =	simm.s32 $0x80  }
0x14f: {  	s29 =	simm.s32 $0x80;
	s30 =	simm.s32 $0x180;
	s31 =	sadd.s32 $0x0, s26  }
.LBB2_64:
0x150: {  	[hbm4b:s31+s2] =	stream.linear.scatter [tilespmem:s28], [sflag:$0x2], $0x80, $0x38;
	[tilespmem:$0x18000] =	vst v63  }
0x151: {  	s31 =	smov.u32 s29;
	s28 =	smov.u32 s30;
	p0 =	sne.s32 s29, $0xBF80  }
.Ltmp31:
0x152: {  	s29 =	sadd.s32 $0x80, s29;
	(pc) =	sbr.rel @p0 .LBB2_64-.Ltmp31, $2  }
0x153: {  	_ =	sdelay $0x2  }
0x154: {  	s30 =	sadd.s32 $0x100, s30;
	s31 =	sadd.s32 s31, s26  }
0x155: {  	[hbm4b:s31+s2] =	stream.linear.scatter [tilespmem:s28], [sflag:$0x2], $0x80, $0x38;
	[tilespmem:$0x18000] =	vst v63  }
0x156: {  	s26 =	sadd.s32 s16, s11;
	s28 =	simm.s32 $0x80  }
0x157: {  	s29 =	simm.s32 $0x80;
	s30 =	simm.s32 $0x180;
	s31 =	sadd.s32 $0x0, s26  }
.LBB2_66:
0x158: {  	[hbm4b:s31+s2] =	stream.linear.scatter [tilespmem:s28], [sflag:$0x2], $0x80, $0x38;
	[tilespmem:$0x18000] =	vst v63  }
0x159: {  	s31 =	smov.u32 s29;
	s28 =	smov.u32 s30;
	p0 =	sne.s32 s29, $0xBF80  }
.Ltmp32:
0x15a: {  	s29 =	sadd.s32 $0x80, s29;
	(pc) =	sbr.rel @p0 .LBB2_66-.Ltmp32, $2  }
0x15b: {  	_ =	sdelay $0x2  }
0x15c: {  	s30 =	sadd.s32 $0x100, s30;
	s31 =	sadd.s32 s31, s26  }
0x15d: {  	[hbm4b:s31+s2] =	stream.linear.scatter [tilespmem:s28], [sflag:$0x2], $0x80, $0x38;
	[tilespmem:$0x18000] =	vst v63  }
0x15e: {  	s26 =	sadd.s32 s16, s12;
	s28 =	simm.s32 $0x80  }
0x15f: {  	s29 =	simm.s32 $0x80;
	s30 =	simm.s32 $0x180;
	s31 =	sadd.s32 $0x0, s26  }
.LBB2_68:
0x160: {  	[hbm4b:s31+s2] =	stream.linear.scatter [tilespmem:s28], [sflag:$0x2], $0x80, $0x38;
	[tilespmem:$0x18000] =	vst v63  }
0x161: {  	s31 =	smov.u32 s29;
	s28 =	smov.u32 s30;
	p0 =	sne.s32 s29, $0xBF80  }
.Ltmp33:
0x162: {  	s29 =	sadd.s32 $0x80, s29;
	(pc) =	sbr.rel @p0 .LBB2_68-.Ltmp33, $2  }
0x163: {  	_ =	sdelay $0x2  }
0x164: {  	s30 =	sadd.s32 $0x100, s30;
	s31 =	sadd.s32 s31, s26  }
0x165: {  	[hbm4b:s31+s2] =	stream.linear.scatter [tilespmem:s28], [sflag:$0x2], $0x80, $0x38;
	[tilespmem:$0x18000] =	vst v63  }
0x166: {  	s26 =	sadd.s32 s16, s13;
	s28 =	simm.s32 $0x80  }
0x167: {  	s29 =	simm.s32 $0x80;
	s30 =	simm.s32 $0x180;
	s31 =	sadd.s32 $0x0, s26  }
.LBB2_70:
0x168: {  	[hbm4b:s31+s2] =	stream.linear.scatter [tilespmem:s28], [sflag:$0x2], $0x80, $0x38;
	[tilespmem:$0x18000] =	vst v63  }
0x169: {  	s31 =	smov.u32 s29;
	s28 =	smov.u32 s30;
	p0 =	sne.s32 s29, $0xBF80  }
.Ltmp34:
0x16a: {  	s29 =	sadd.s32 $0x80, s29;
	(pc) =	sbr.rel @p0 .LBB2_70-.Ltmp34, $2  }
0x16b: {  	_ =	sdelay $0x2  }
0x16c: {  	s30 =	sadd.s32 $0x100, s30;
	s31 =	sadd.s32 s31, s26  }
0x16d: {  	[hbm4b:s31+s2] =	stream.linear.scatter [tilespmem:s28], [sflag:$0x2], $0x80, $0x38;
	[tilespmem:$0x18000] =	vst v63  }
0x16e: {  	s26 =	sadd.s32 s16, s14;
	s28 =	simm.s32 $0x80  }
0x16f: {  	s29 =	simm.s32 $0x80;
	s30 =	simm.s32 $0x180;
	s31 =	sadd.s32 $0x0, s26  }
.LBB2_72:
0x170: {  	[hbm4b:s31+s2] =	stream.linear.scatter [tilespmem:s28], [sflag:$0x2], $0x80, $0x38;
	[tilespmem:$0x18000] =	vst v63  }
0x171: {  	s31 =	smov.u32 s29;
	s28 =	smov.u32 s30;
	p0 =	sne.s32 s29, $0xBF80  }
.Ltmp35:
0x172: {  	s29 =	sadd.s32 $0x80, s29;
	(pc) =	sbr.rel @p0 .LBB2_72-.Ltmp35, $2  }
0x173: {  	_ =	sdelay $0x2  }
0x174: {  	s30 =	sadd.s32 $0x100, s30;
	s31 =	sadd.s32 s31, s26  }
0x175: {  	[hbm4b:s31+s2] =	stream.linear.scatter [tilespmem:s28], [sflag:$0x2], $0x80, $0x38;
	[tilespmem:$0x18000] =	vst v63  }
0x176: {  	_ =	swait.ge [sflag:s24], $0xC000  }
0x177: {  	[sflag:s24] =	ssyncset.done $0x0  }
0x178: {  	[sflag:s24] =	ssyncadd.s32 $0xFFFF4000  }
0x179: {  	_ =	swait.ge [sflag:s24], $0xC000  }
0x17a: {  	[sflag:s24] =	ssyncset.done $0x0  }
0x17b: {  	[sflag:s24] =	ssyncadd.s32 $0xFFFF4000  }
0x17c: {  	_ =	swait.ge [sflag:s24], $0xC000  }
0x17d: {  	[sflag:s24] =	ssyncset.done $0x0  }
0x17e: {  	[sflag:s24] =	ssyncadd.s32 $0xFFFF4000  }
0x17f: {  	_ =	swait.ge [sflag:s24], $0xC000  }
0x180: {  	[sflag:s24] =	ssyncset.done $0x0  }
0x181: {  	[sflag:s24] =	ssyncadd.s32 $0xFFFF4000  }
0x182: {  	_ =	swait.ge [sflag:s24], $0xC000  }
0x183: {  	[sflag:s24] =	ssyncset.done $0x0  }
0x184: {  	[sflag:s24] =	ssyncadd.s32 $0xFFFF4000  }
0x185: {  	_ =	swait.ge [sflag:s24], $0xC000  }
0x186: {  	[sflag:s24] =	ssyncset.done $0x0  }
0x187: {  	s25 =	sadd.s32 $0x1, s25;
	[sflag:s24] =	ssyncadd.s32 $0xFFFF4000  }
0x188: {  	p0 =	sne.s32 s25, s22;
	_ =	swait.ge [sflag:s24], $0xC000  }
.Ltmp36:
0x189: {  	[sflag:s24] =	ssyncset.done $0x0;
	(pc) =	sbr.rel @p0 .LBB2_1-.Ltmp36, $4  }
0x18a: {  	[sflag:s24] =	ssyncadd.s32 $0xFFFF4000  }
0x18b: {  	_ =	swait.ge [sflag:s24], $0xC000  }
0x18c: {  	[sflag:s24] =	ssyncset.done $0x0  }
0x18d: {  	[sflag:s24] =	ssyncadd.s32 $0xFFFF4000  }
0x18e: {  	_ =	sfence.sel $0x180000  }
0x18f: {  	[bflag:$0x0] =	sbarrier.arrive $0xFFFF  }
0x190: {  	p0 =	sne.s32 s0, $0x0;
	_ =	strace $0x90000047  }
0x191: {  	s0 =	sadd.s32 @!p0 $0x100000, s1;
	[bflag:$0x2] =	sbarrier.arrive $0xFFFF  }
0x192: {  	[sflag:s0] =	ssyncadd.tile.s32 @!p0 $0x1;
	_ =	shalt  }
.Lfunc_end2:
_tile_overlayer_lowered:
.L_overlay_start_2:
0x193: {  	(tag) =	ssettag $0x2  }
0x194: {  	s0 =	rddreg [dreg:$0x0];
	s2 =	stileid.u32  }
0x195: {  	s1 =	rddreg [dreg:$0x1];
	p0 =	sne.s32 s2, $0x0  }
0x196: {  	s3 =	rddreg [dreg:$0x2];
	[bflag:$0x3] =	sbarrier.arrive $0xFFFF;
	s2 =	simm.s32 @!p0 $0x1C03  }
0x197: {  	[timem:s3], [sflag:s2] =	dma.local @!p0 [hbm:s0], s1  }
0x198: {  	s0 =	simm.s32 @!p0 $0x3  }
0x199: {  	_ =	swait.ge @!p0 [sflag:s0], s1  }
0x19a: {  	s1 =	ssub.s32 @!p0 $0x0, s1;
	[sflag:s0] =	ssyncset.done @!p0 $0x0  }
0x19b: {  	[sflag:s0] =	ssyncadd.s32 @!p0 s1  }
0x19c: {  	[bflag:$0x3] =	sbarrier.arrive $0xFFFF  }
0x19d: {  	_ =	shalt  }

</sc_bundles>
